<compile_context>
chip_gen: v7x
topology: tpu7x:2x2x1
jax: 0.10.2.dev20260603
libtpu: 0.0.44.dev20260713+nightly
codegen_flags: <defaults>
</compile_context>

<pallas_src>
import functools

import jax
import jax.numpy as jnp
from jax import lax
from jax.experimental import pallas as pl
from jax.experimental.pallas import tpu as pltpu
from jax.experimental.pallas import tpu_sc as plsc

MAXLEN = 200
EMBED = 64
SEQ_PER_SUPER = 2


def kernel(x, token_table, pos_table):
    B, T = x.shape
    V, D = token_table.shape
    assert T == MAXLEN and D == EMBED

    info = plsc.get_sparse_core_info()
    nw = info.num_cores * info.num_subcores
    supers_per_w = B // (SEQ_PER_SUPER * nw)

    x32 = x.astype(jnp.int32)

    mesh = plsc.VectorSubcoreMesh(core_axis_name="c", subcore_axis_name="s")

    @functools.partial(
        pl.kernel,
        mesh=mesh,
        out_type=jax.ShapeDtypeStruct((B, T, D), jnp.float32),
        scratch_types=[
            pltpu.VMEM_SHARED((SEQ_PER_SUPER, MAXLEN, D), jnp.float32),
            pltpu.VMEM((SEQ_PER_SUPER, MAXLEN, D), jnp.float32),
            pltpu.VMEM((SEQ_PER_SUPER, MAXLEN, D), jnp.float32),
            pltpu.VMEM((SEQ_PER_SUPER, MAXLEN), jnp.int32),
            pltpu.VMEM((SEQ_PER_SUPER, MAXLEN), jnp.int32),
            pltpu.SemaphoreType.DMA,
            pltpu.SemaphoreType.DMA,
            pltpu.SemaphoreType.DMA,
            pltpu.SemaphoreType.DMA,
        ],
        compiler_params=pltpu.CompilerParams(use_tc_tiling_on_sc=False),
    )
    def sc_kernel(x_hbm, tok_hbm, pos_hbm, out_hbm,
                  posfill, rows0, rows1, idx0, idx1,
                  sem_g0, sem_g1, sem_s0, sem_s1):
        rows = (rows0, rows1)
        idx = (idx0, idx1)
        sem_g = (sem_g0, sem_g1)
        sem_s = (sem_s0, sem_s1)

        cid = lax.axis_index("c")
        sid = lax.axis_index("s")
        wid = sid * info.num_cores + cid
        base = wid * supers_per_w

        @pl.when(sid == 0)
        def _():
            pltpu.sync_copy(pos_hbm, rows0.at[0])
            for rep in range(SEQ_PER_SUPER):
                pltpu.sync_copy(rows0.at[0], posfill.at[rep])
        plsc.subcore_barrier()

        def wait_store(b):
            pltpu.make_async_copy(
                rows[b], out_hbm.at[pl.ds(0, SEQ_PER_SUPER)], sem_s[b]).wait()

        def stage_a(i, b, first_use):
            if not first_use:
                wait_store(b)
            pltpu.sync_copy(posfill, rows[b])
            pltpu.sync_copy(
                x_hbm.at[pl.ds((base + i) * SEQ_PER_SUPER, SEQ_PER_SUPER)],
                idx[b])
            for s in range(SEQ_PER_SUPER):
                pltpu.async_copy(
                    tok_hbm.at[idx[b].at[s]], rows[b].at[s], sem_g[b],
                    add=True)

        def stage_b(i, b):
            for s in range(SEQ_PER_SUPER):
                pltpu.make_async_copy(
                    tok_hbm.at[idx[b].at[s]], rows[b].at[s], sem_g[b]).wait()
            pltpu.async_copy(
                rows[b],
                out_hbm.at[pl.ds((base + i) * SEQ_PER_SUPER, SEQ_PER_SUPER)],
                sem_s[b])

        stage_a(0, 0, True)
        stage_a(1, 1, True)
        stage_b(0, 0)

        @pl.loop(0, (supers_per_w - 2) // 2)
        def _(t):
            i = 2 + 2 * t
            stage_a(i, 0, False)
            stage_b(i - 1, 1)
            stage_a(i + 1, 1, False)
            stage_b(i, 0)

        stage_b(supers_per_w - 1, 1)
        wait_store(0)
        wait_store(1)

    return sc_kernel(x32, token_table, pos_table)

# --- scband reference (transcript-rebuilt; emitter-appended) ---
"""Pipeline reference for scband-token-and-position-embedding-4492535792099 (READ-ONLY COPY).

The authoritative reference and input builder live on the scoring server;
editing this copy changes nothing except your own understanding.
"""

import jax, jax.numpy as jnp
import numpy as np

MAXLEN = 200
VOCAB = 100000
EMBED = 64
BATCH = 4096

def setup_inputs(seed: int = 0) -> dict:
    key = jax.random.key(seed)
    k1, k2, k3 = jax.random.split(key, 3)
    x = jax.random.randint(k1, (BATCH, MAXLEN), 0, VOCAB, dtype=jnp.int64 if jax.config.jax_enable_x64 else jnp.int32)
    token_table = jax.random.normal(k2, (VOCAB, EMBED), dtype=jnp.float32) * 0.05
    pos_table = jax.random.normal(k3, (MAXLEN, EMBED), dtype=jnp.float32) * 0.05
    return {"x": x, "token_table": token_table, "pos_table": pos_table}

def reference(x, token_table, pos_table):
    # positions = range(maxlen); pos_emb(positions) -> [maxlen, embed]
    positions = jnp.arange(MAXLEN)
    pos = jnp.take(pos_table, positions, axis=0)  # [maxlen, embed]
    # token_emb(x) -> [batch, maxlen, embed]
    tok = jnp.take(token_table, x, axis=0)
    return tok + pos[None, :, :]

if __name__ == "__main__":
    import jax
    _d = setup_inputs()
    print(jax.jit(kernel)(*tuple(_d.values())))

</pallas_src>

<mosaic_0001>
#map = affine_map<(d0, d1) -> (0, 0)>
#map1 = affine_map<(d0, d1) -> (0, 0, 0)>
module attributes {stable_mosaic.version = 14 : i64} {
  func.func @sc_kernel(%arg0: i32, %arg1: i32, %arg2: memref<4096x200xi32, #tpu.memory_space<hbm>>, %arg3: memref<100000x64xf32, #tpu.memory_space<hbm>>, %arg4: memref<200x64xf32, #tpu.memory_space<hbm>>, %arg5: memref<4096x200x64xf32, #tpu.memory_space<hbm>>, %arg6: memref<2x200x64xf32, #tpu.memory_space<vmem_shared>>, %arg7: memref<2x200x64xf32, #tpu.memory_space<vmem>>, %arg8: memref<2x200x64xf32, #tpu.memory_space<vmem>>, %arg9: memref<2x200xi32, #tpu.memory_space<vmem>>, %arg10: memref<2x200xi32, #tpu.memory_space<vmem>>, %arg11: memref<!tpu.dma_semaphore, #tpu.memory_space<semaphore_mem>>, %arg12: memref<!tpu.dma_semaphore, #tpu.memory_space<semaphore_mem>>, %arg13: memref<!tpu.dma_semaphore, #tpu.memory_space<semaphore_mem>>, %arg14: memref<!tpu.dma_semaphore, #tpu.memory_space<semaphore_mem>>) attributes {dimension_semantics = [#tpu.dimension_semantics<core_parallel>, #tpu.dimension_semantics<subcore_parallel>], iteration_bounds = array<i64: 2, 16>, scalar_prefetch = 0 : i64, scratch_operands = 9 : i64, tpu.core_type = #tpu.core_type<sc_vector_subcore>, window_params = [{transform_indices = #map}, {transform_indices = #map}, {transform_indices = #map}, {transform_indices = #map1}]} {
    %mul3A = arith.constant 2 : i32
    %mul3A_0 = arith.muli %arg1, %mul3A : i32
    %add3A = arith.addi %mul3A_0, %arg0 : i32
    %mul3A_1 = arith.constant 64 : i32
    %mul3A_2 = arith.muli %add3A, %mul3A_1 : i32
    %eq3A = arith.constant 0 : i32
    %eq3A_3 = arith.cmpi eq, %arg1, %eq3A : i32
    %convert_element_type3A = arith.extui %eq3A_3 : i1 to i32
    %cond3A = arith.constant 0 : i32
    %cond3A_4 = arith.cmpi ne, %convert_element_type3A, %cond3A : i32
    scf.if %cond3A_4 {
      %run_scoped3A = arith.constant 0 : i32
      "tpu.region"() ({
        %run_scoped3A_151 = tpu.sem_alloc : memref<!tpu.dma_semaphore, #tpu.memory_space<semaphore_mem>>
        %dma_start3A_152 = arith.constant 0 : i32
        %dma_start3A_153 = arith.constant 0 : i32
        %dma_start3A_154 = tpu.memref_slice %arg7[%run_scoped3A, %dma_start3A_152, %dma_start3A_153] : memref<2x200x64xf32, #tpu.memory_space<vmem>> -> memref<1x200x64xf32, #tpu.memory_space<vmem>>
        %dma_start3A_155 = tpu.memref_squeeze %dma_start3A_154 : memref<1x200x64xf32, #tpu.memory_space<vmem>> -> memref<200x64xf32, #tpu.memory_space<vmem>>
        %dma_start3A_156 = arith.constant 0 : i32
        %dma_start3A_157 = arith.constant 0 : i32
        %dma_start3A_158 = tpu.memref_slice %arg7[%run_scoped3A, %dma_start3A_156, %dma_start3A_157] : memref<2x200x64xf32, #tpu.memory_space<vmem>> -> memref<1x200x64xf32, #tpu.memory_space<vmem>>
        %dma_start3A_159 = tpu.memref_squeeze %dma_start3A_158 : memref<1x200x64xf32, #tpu.memory_space<vmem>> -> memref<200x64xf32, #tpu.memory_space<vmem>>
        tpu.enqueue_dma source(%arg4 : memref<200x64xf32, #tpu.memory_space<hbm>>) target(%dma_start3A_159 : memref<200x64xf32, #tpu.memory_space<vmem>>) target_semaphore(%run_scoped3A_151 : memref<!tpu.dma_semaphore, #tpu.memory_space<semaphore_mem>>)
        %dma_wait3A_160 = arith.constant 0 : i32
        %dma_wait3A_161 = arith.constant 0 : i32
        %dma_wait3A_162 = tpu.memref_slice %arg7[%run_scoped3A, %dma_wait3A_160, %dma_wait3A_161] : memref<2x200x64xf32, #tpu.memory_space<vmem>> -> memref<1x200x64xf32, #tpu.memory_space<vmem>>
        %dma_wait3A_163 = tpu.memref_squeeze %dma_wait3A_162 : memref<1x200x64xf32, #tpu.memory_space<vmem>> -> memref<200x64xf32, #tpu.memory_space<vmem>>
        %dma_wait3A_164 = arith.constant 0 : i32
        %dma_wait3A_165 = arith.constant 0 : i32
        %dma_wait3A_166 = tpu.memref_slice %arg7[%run_scoped3A, %dma_wait3A_164, %dma_wait3A_165] : memref<2x200x64xf32, #tpu.memory_space<vmem>> -> memref<1x200x64xf32, #tpu.memory_space<vmem>>
        %dma_wait3A_167 = tpu.memref_squeeze %dma_wait3A_166 : memref<1x200x64xf32, #tpu.memory_space<vmem>> -> memref<200x64xf32, #tpu.memory_space<vmem>>
        tpu.wait_dma2 semaphore(%run_scoped3A_151 : memref<!tpu.dma_semaphore, #tpu.memory_space<semaphore_mem>>) src(%arg4 : memref<200x64xf32, #tpu.memory_space<hbm>>) dst(%dma_wait3A_167 : memref<200x64xf32, #tpu.memory_space<vmem>>)
        tpu.yield
      }) : () -> ()
      %run_scoped3A_147 = arith.constant 0 : i32
      %run_scoped3A_148 = arith.constant 0 : i32
      "tpu.region"() ({
        %run_scoped3A_151 = tpu.sem_alloc : memref<!tpu.dma_semaphore, #tpu.memory_space<semaphore_mem>>
        %dma_start3A_152 = arith.constant 0 : i32
        %dma_start3A_153 = arith.constant 0 : i32
        %dma_start3A_154 = tpu.memref_slice %arg7[%run_scoped3A_147, %dma_start3A_152, %dma_start3A_153] : memref<2x200x64xf32, #tpu.memory_space<vmem>> -> memref<1x200x64xf32, #tpu.memory_space<vmem>>
        %dma_start3A_155 = tpu.memref_squeeze %dma_start3A_154 : memref<1x200x64xf32, #tpu.memory_space<vmem>> -> memref<200x64xf32, #tpu.memory_space<vmem>>
        %dma_start3A_156 = arith.constant 0 : i32
        %dma_start3A_157 = arith.constant 0 : i32
        %dma_start3A_158 = tpu.memref_slice %arg6[%run_scoped3A_148, %dma_start3A_156, %dma_start3A_157] : memref<2x200x64xf32, #tpu.memory_space<vmem_shared>> -> memref<1x200x64xf32, #tpu.memory_space<vmem_shared>>
        %dma_start3A_159 = tpu.memref_squeeze %dma_start3A_158 : memref<1x200x64xf32, #tpu.memory_space<vmem_shared>> -> memref<200x64xf32, #tpu.memory_space<vmem_shared>>
        %dma_start3A_160 = arith.constant 0 : i32
        %dma_start3A_161 = arith.constant 0 : i32
        %dma_start3A_162 = tpu.memref_slice %arg6[%run_scoped3A_148, %dma_start3A_160, %dma_start3A_161] : memref<2x200x64xf32, #tpu.memory_space<vmem_shared>> -> memref<1x200x64xf32, #tpu.memory_space<vmem_shared>>
        %dma_start3A_163 = tpu.memref_squeeze %dma_start3A_162 : memref<1x200x64xf32, #tpu.memory_space<vmem_shared>> -> memref<200x64xf32, #tpu.memory_space<vmem_shared>>
        %dma_start3A_164 = arith.constant 0 : i32
        %dma_start3A_165 = arith.constant 0 : i32
        %dma_start3A_166 = tpu.memref_slice %arg7[%run_scoped3A_147, %dma_start3A_164, %dma_start3A_165] : memref<2x200x64xf32, #tpu.memory_space<vmem>> -> memref<1x200x64xf32, #tpu.memory_space<vmem>>
        %dma_start3A_167 = tpu.memref_squeeze %dma_start3A_166 : memref<1x200x64xf32, #tpu.memory_space<vmem>> -> memref<200x64xf32, #tpu.memory_space<vmem>>
        tpu.enqueue_dma source(%dma_start3A_167 : memref<200x64xf32, #tpu.memory_space<vmem>>) target(%dma_start3A_163 : memref<200x64xf32, #tpu.memory_space<vmem_shared>>) target_semaphore(%run_scoped3A_151 : memref<!tpu.dma_semaphore, #tpu.memory_space<semaphore_mem>>)
        %dma_wait3A_168 = arith.constant 0 : i32
        %dma_wait3A_169 = arith.constant 0 : i32
        %dma_wait3A_170 = tpu.memref_slice %arg7[%run_scoped3A_147, %dma_wait3A_168, %dma_wait3A_169] : memref<2x200x64xf32, #tpu.memory_space<vmem>> -> memref<1x200x64xf32, #tpu.memory_space<vmem>>
        %dma_wait3A_171 = tpu.memref_squeeze %dma_wait3A_170 : memref<1x200x64xf32, #tpu.memory_space<vmem>> -> memref<200x64xf32, #tpu.memory_space<vmem>>
        %dma_wait3A_172 = arith.constant 0 : i32
        %dma_wait3A_173 = arith.constant 0 : i32
        %dma_wait3A_174 = tpu.memref_slice %arg6[%run_scoped3A_148, %dma_wait3A_172, %dma_wait3A_173] : memref<2x200x64xf32, #tpu.memory_space<vmem_shared>> -> memref<1x200x64xf32, #tpu.memory_space<vmem_shared>>
        %dma_wait3A_175 = tpu.memref_squeeze %dma_wait3A_174 : memref<1x200x64xf32, #tpu.memory_space<vmem_shared>> -> memref<200x64xf32, #tpu.memory_space<vmem_shared>>
        %dma_wait3A_176 = arith.constant 0 : i32
        %dma_wait3A_177 = arith.constant 0 : i32
        %dma_wait3A_178 = tpu.memref_slice %arg6[%run_scoped3A_148, %dma_wait3A_176, %dma_wait3A_177] : memref<2x200x64xf32, #tpu.memory_space<vmem_shared>> -> memref<1x200x64xf32, #tpu.memory_space<vmem_shared>>
        %dma_wait3A_179 = tpu.memref_squeeze %dma_wait3A_178 : memref<1x200x64xf32, #tpu.memory_space<vmem_shared>> -> memref<200x64xf32, #tpu.memory_space<vmem_shared>>
        %dma_wait3A_180 = arith.constant 0 : i32
        %dma_wait3A_181 = arith.constant 0 : i32
        %dma_wait3A_182 = tpu.memref_slice %arg7[%run_scoped3A_147, %dma_wait3A_180, %dma_wait3A_181] : memref<2x200x64xf32, #tpu.memory_space<vmem>> -> memref<1x200x64xf32, #tpu.memory_space<vmem>>
        %dma_wait3A_183 = tpu.memref_squeeze %dma_wait3A_182 : memref<1x200x64xf32, #tpu.memory_space<vmem>> -> memref<200x64xf32, #tpu.memory_space<vmem>>
        tpu.wait_dma2 semaphore(%run_scoped3A_151 : memref<!tpu.dma_semaphore, #tpu.memory_space<semaphore_mem>>) src(%dma_wait3A_183 : memref<200x64xf32, #tpu.memory_space<vmem>>) dst(%dma_wait3A_179 : memref<200x64xf32, #tpu.memory_space<vmem_shared>>)
        tpu.yield
      }) : () -> ()
      %run_scoped3A_149 = arith.constant 0 : i32
      %run_scoped3A_150 = arith.constant 1 : i32
      "tpu.region"() ({
        %run_scoped3A_151 = tpu.sem_alloc : memref<!tpu.dma_semaphore, #tpu.memory_space<semaphore_mem>>
        %dma_start3A_152 = arith.constant 0 : i32
        %dma_start3A_153 = arith.constant 0 : i32
        %dma_start3A_154 = tpu.memref_slice %arg7[%run_scoped3A_149, %dma_start3A_152, %dma_start3A_153] : memref<2x200x64xf32, #tpu.memory_space<vmem>> -> memref<1x200x64xf32, #tpu.memory_space<vmem>>
        %dma_start3A_155 = tpu.memref_squeeze %dma_start3A_154 : memref<1x200x64xf32, #tpu.memory_space<vmem>> -> memref<200x64xf32, #tpu.memory_space<vmem>>
        %dma_start3A_156 = arith.constant 0 : i32
        %dma_start3A_157 = arith.constant 0 : i32
        %dma_start3A_158 = tpu.memref_slice %arg6[%run_scoped3A_150, %dma_start3A_156, %dma_start3A_157] : memref<2x200x64xf32, #tpu.memory_space<vmem_shared>> -> memref<1x200x64xf32, #tpu.memory_space<vmem_shared>>
        %dma_start3A_159 = tpu.memref_squeeze %dma_start3A_158 : memref<1x200x64xf32, #tpu.memory_space<vmem_shared>> -> memref<200x64xf32, #tpu.memory_space<vmem_shared>>
        %dma_start3A_160 = arith.constant 0 : i32
        %dma_start3A_161 = arith.constant 0 : i32
        %dma_start3A_162 = tpu.memref_slice %arg6[%run_scoped3A_150, %dma_start3A_160, %dma_start3A_161] : memref<2x200x64xf32, #tpu.memory_space<vmem_shared>> -> memref<1x200x64xf32, #tpu.memory_space<vmem_shared>>
        %dma_start3A_163 = tpu.memref_squeeze %dma_start3A_162 : memref<1x200x64xf32, #tpu.memory_space<vmem_shared>> -> memref<200x64xf32, #tpu.memory_space<vmem_shared>>
        %dma_start3A_164 = arith.constant 0 : i32
        %dma_start3A_165 = arith.constant 0 : i32
        %dma_start3A_166 = tpu.memref_slice %arg7[%run_scoped3A_149, %dma_start3A_164, %dma_start3A_165] : memref<2x200x64xf32, #tpu.memory_space<vmem>> -> memref<1x200x64xf32, #tpu.memory_space<vmem>>
        %dma_start3A_167 = tpu.memref_squeeze %dma_start3A_166 : memref<1x200x64xf32, #tpu.memory_space<vmem>> -> memref<200x64xf32, #tpu.memory_space<vmem>>
        tpu.enqueue_dma source(%dma_start3A_167 : memref<200x64xf32, #tpu.memory_space<vmem>>) target(%dma_start3A_163 : memref<200x64xf32, #tpu.memory_space<vmem_shared>>) target_semaphore(%run_scoped3A_151 : memref<!tpu.dma_semaphore, #tpu.memory_space<semaphore_mem>>)
        %dma_wait3A_168 = arith.constant 0 : i32
        %dma_wait3A_169 = arith.constant 0 : i32
        %dma_wait3A_170 = tpu.memref_slice %arg7[%run_scoped3A_149, %dma_wait3A_168, %dma_wait3A_169] : memref<2x200x64xf32, #tpu.memory_space<vmem>> -> memref<1x200x64xf32, #tpu.memory_space<vmem>>
        %dma_wait3A_171 = tpu.memref_squeeze %dma_wait3A_170 : memref<1x200x64xf32, #tpu.memory_space<vmem>> -> memref<200x64xf32, #tpu.memory_space<vmem>>
        %dma_wait3A_172 = arith.constant 0 : i32
        %dma_wait3A_173 = arith.constant 0 : i32
        %dma_wait3A_174 = tpu.memref_slice %arg6[%run_scoped3A_150, %dma_wait3A_172, %dma_wait3A_173] : memref<2x200x64xf32, #tpu.memory_space<vmem_shared>> -> memref<1x200x64xf32, #tpu.memory_space<vmem_shared>>
        %dma_wait3A_175 = tpu.memref_squeeze %dma_wait3A_174 : memref<1x200x64xf32, #tpu.memory_space<vmem_shared>> -> memref<200x64xf32, #tpu.memory_space<vmem_shared>>
        %dma_wait3A_176 = arith.constant 0 : i32
        %dma_wait3A_177 = arith.constant 0 : i32
        %dma_wait3A_178 = tpu.memref_slice %arg6[%run_scoped3A_150, %dma_wait3A_176, %dma_wait3A_177] : memref<2x200x64xf32, #tpu.memory_space<vmem_shared>> -> memref<1x200x64xf32, #tpu.memory_space<vmem_shared>>
        %dma_wait3A_179 = tpu.memref_squeeze %dma_wait3A_178 : memref<1x200x64xf32, #tpu.memory_space<vmem_shared>> -> memref<200x64xf32, #tpu.memory_space<vmem_shared>>
        %dma_wait3A_180 = arith.constant 0 : i32
        %dma_wait3A_181 = arith.constant 0 : i32
        %dma_wait3A_182 = tpu.memref_slice %arg7[%run_scoped3A_149, %dma_wait3A_180, %dma_wait3A_181] : memref<2x200x64xf32, #tpu.memory_space<vmem>> -> memref<1x200x64xf32, #tpu.memory_space<vmem>>
        %dma_wait3A_183 = tpu.memref_squeeze %dma_wait3A_182 : memref<1x200x64xf32, #tpu.memory_space<vmem>> -> memref<200x64xf32, #tpu.memory_space<vmem>>
        tpu.wait_dma2 semaphore(%run_scoped3A_151 : memref<!tpu.dma_semaphore, #tpu.memory_space<semaphore_mem>>) src(%dma_wait3A_183 : memref<200x64xf32, #tpu.memory_space<vmem>>) dst(%dma_wait3A_179 : memref<200x64xf32, #tpu.memory_space<vmem_shared>>)
        tpu.yield
      }) : () -> ()
    } else {
    }
    %barrier3A = arith.constant 0 : index
    tpu.barrier barrier_id(%barrier3A)
    "tpu.region"() ({
      %run_scoped3A = tpu.sem_alloc : memref<!tpu.dma_semaphore, #tpu.memory_space<semaphore_mem>>
      tpu.enqueue_dma source(%arg6 : memref<2x200x64xf32, #tpu.memory_space<vmem_shared>>) target(%arg7 : memref<2x200x64xf32, #tpu.memory_space<vmem>>) target_semaphore(%run_scoped3A : memref<!tpu.dma_semaphore, #tpu.memory_space<semaphore_mem>>)
      tpu.wait_dma2 semaphore(%run_scoped3A : memref<!tpu.dma_semaphore, #tpu.memory_space<semaphore_mem>>) src(%arg6 : memref<2x200x64xf32, #tpu.memory_space<vmem_shared>>) dst(%arg7 : memref<2x200x64xf32, #tpu.memory_space<vmem>>)
      tpu.yield
    }) : () -> ()
    %add3A_5 = arith.constant 0 : i32
    %add3A_6 = arith.addi %mul3A_2, %add3A_5 : i32
    %mul3A_7 = arith.constant 2 : i32
    %mul3A_8 = arith.muli %add3A_6, %mul3A_7 : i32
    "tpu.region"() ({
      %run_scoped3A = tpu.sem_alloc : memref<!tpu.dma_semaphore, #tpu.memory_space<semaphore_mem>>
      %dma_start3A_147 = arith.constant 0 : i32
      %dma_start3A_148 = tpu.memref_slice %arg2[%mul3A_8, %dma_start3A_147] : memref<4096x200xi32, #tpu.memory_space<hbm>> -> memref<2x200xi32, #tpu.memory_space<hbm>>
      %dma_start3A_149 = arith.constant 0 : i32
      %dma_start3A_150 = tpu.memref_slice %arg2[%mul3A_8, %dma_start3A_149] : memref<4096x200xi32, #tpu.memory_space<hbm>> -> memref<2x200xi32, #tpu.memory_space<hbm>>
      tpu.enqueue_dma source(%dma_start3A_150 : memref<2x200xi32, #tpu.memory_space<hbm>>) target(%arg9 : memref<2x200xi32, #tpu.memory_space<vmem>>) target_semaphore(%run_scoped3A : memref<!tpu.dma_semaphore, #tpu.memory_space<semaphore_mem>>)
      %dma_wait3A_151 = arith.constant 0 : i32
      %dma_wait3A_152 = tpu.memref_slice %arg2[%mul3A_8, %dma_wait3A_151] : memref<4096x200xi32, #tpu.memory_space<hbm>> -> memref<2x200xi32, #tpu.memory_space<hbm>>
      %dma_wait3A_153 = arith.constant 0 : i32
      %dma_wait3A_154 = tpu.memref_slice %arg2[%mul3A_8, %dma_wait3A_153] : memref<4096x200xi32, #tpu.memory_space<hbm>> -> memref<2x200xi32, #tpu.memory_space<hbm>>
      tpu.wait_dma2 semaphore(%run_scoped3A : memref<!tpu.dma_semaphore, #tpu.memory_space<semaphore_mem>>) src(%dma_wait3A_154 : memref<2x200xi32, #tpu.memory_space<hbm>>) dst(%arg9 : memref<2x200xi32, #tpu.memory_space<vmem>>)
      tpu.yield
    }) : () -> ()
    %dma_start3A = arith.constant 0 : i32
    %dma_start3A_9 = arith.constant 0 : i32
    %dma_start3A_10 = arith.constant 0 : i32
    %dma_start3A_11 = arith.constant 0 : i32
    %dma_start3A_12 = tpu.memref_slice %arg7[%dma_start3A_9, %dma_start3A_10, %dma_start3A_11] : memref<2x200x64xf32, #tpu.memory_space<vmem>> -> memref<1x200x64xf32, #tpu.memory_space<vmem>>
    %dma_start3A_13 = tpu.memref_squeeze %dma_start3A_12 : memref<1x200x64xf32, #tpu.memory_space<vmem>> -> memref<200x64xf32, #tpu.memory_space<vmem>>
    %dma_start3A_14 = arith.constant 0 : i32
    %dma_start3A_15 = tpu.memref_slice %arg9[%dma_start3A, %dma_start3A_14] : memref<2x200xi32, #tpu.memory_space<vmem>> -> memref<1x200xi32, #tpu.memory_space<vmem>>
    %dma_start3A_16 = tpu.memref_squeeze %dma_start3A_15 : memref<1x200xi32, #tpu.memory_space<vmem>> -> memref<200xi32, #tpu.memory_space<vmem>>
    %dma_start3A_17 = arith.constant 0 : i32
    %dma_start3A_18 = arith.constant 0 : i32
    %dma_start3A_19 = tpu.memref_slice %arg3[%dma_start3A_17, %dma_start3A_18] : memref<100000x64xf32, #tpu.memory_space<hbm>> -> memref<100000x64xf32, #tpu.memory_space<hbm>>
    tpu.enqueue_indirect_dma source(%dma_start3A_19 : memref<100000x64xf32, #tpu.memory_space<hbm>>) target(%dma_start3A_13 : memref<200x64xf32, #tpu.memory_space<vmem>>) offsets(%dma_start3A_16 : memref<200xi32, #tpu.memory_space<vmem>>) semaphore(%arg11 : memref<!tpu.dma_semaphore, #tpu.memory_space<semaphore_mem>>) {add = true}
    %dma_start3A_20 = arith.constant 1 : i32
    %dma_start3A_21 = arith.constant 1 : i32
    %dma_start3A_22 = arith.constant 0 : i32
    %dma_start3A_23 = arith.constant 0 : i32
    %dma_start3A_24 = tpu.memref_slice %arg7[%dma_start3A_21, %dma_start3A_22, %dma_start3A_23] : memref<2x200x64xf32, #tpu.memory_space<vmem>> -> memref<1x200x64xf32, #tpu.memory_space<vmem>>
    %dma_start3A_25 = tpu.memref_squeeze %dma_start3A_24 : memref<1x200x64xf32, #tpu.memory_space<vmem>> -> memref<200x64xf32, #tpu.memory_space<vmem>>
    %dma_start3A_26 = arith.constant 0 : i32
    %dma_start3A_27 = tpu.memref_slice %arg9[%dma_start3A_20, %dma_start3A_26] : memref<2x200xi32, #tpu.memory_space<vmem>> -> memref<1x200xi32, #tpu.memory_space<vmem>>
    %dma_start3A_28 = tpu.memref_squeeze %dma_start3A_27 : memref<1x200xi32, #tpu.memory_space<vmem>> -> memref<200xi32, #tpu.memory_space<vmem>>
    %dma_start3A_29 = arith.constant 0 : i32
    %dma_start3A_30 = arith.constant 0 : i32
    %dma_start3A_31 = tpu.memref_slice %arg3[%dma_start3A_29, %dma_start3A_30] : memref<100000x64xf32, #tpu.memory_space<hbm>> -> memref<100000x64xf32, #tpu.memory_space<hbm>>
    tpu.enqueue_indirect_dma source(%dma_start3A_31 : memref<100000x64xf32, #tpu.memory_space<hbm>>) target(%dma_start3A_25 : memref<200x64xf32, #tpu.memory_space<vmem>>) offsets(%dma_start3A_28 : memref<200xi32, #tpu.memory_space<vmem>>) semaphore(%arg11 : memref<!tpu.dma_semaphore, #tpu.memory_space<semaphore_mem>>) {add = true}
    "tpu.region"() ({
      %run_scoped3A = tpu.sem_alloc : memref<!tpu.dma_semaphore, #tpu.memory_space<semaphore_mem>>
      tpu.enqueue_dma source(%arg6 : memref<2x200x64xf32, #tpu.memory_space<vmem_shared>>) target(%arg8 : memref<2x200x64xf32, #tpu.memory_space<vmem>>) target_semaphore(%run_scoped3A : memref<!tpu.dma_semaphore, #tpu.memory_space<semaphore_mem>>)
      tpu.wait_dma2 semaphore(%run_scoped3A : memref<!tpu.dma_semaphore, #tpu.memory_space<semaphore_mem>>) src(%arg6 : memref<2x200x64xf32, #tpu.memory_space<vmem_shared>>) dst(%arg8 : memref<2x200x64xf32, #tpu.memory_space<vmem>>)
      tpu.yield
    }) : () -> ()
    %add3A_32 = arith.constant 1 : i32
    %add3A_33 = arith.addi %mul3A_2, %add3A_32 : i32
    %mul3A_34 = arith.constant 2 : i32
    %mul3A_35 = arith.muli %add3A_33, %mul3A_34 : i32
    "tpu.region"() ({
      %run_scoped3A = tpu.sem_alloc : memref<!tpu.dma_semaphore, #tpu.memory_space<semaphore_mem>>
      %dma_start3A_147 = arith.constant 0 : i32
      %dma_start3A_148 = tpu.memref_slice %arg2[%mul3A_35, %dma_start3A_147] : memref<4096x200xi32, #tpu.memory_space<hbm>> -> memref<2x200xi32, #tpu.memory_space<hbm>>
      %dma_start3A_149 = arith.constant 0 : i32
      %dma_start3A_150 = tpu.memref_slice %arg2[%mul3A_35, %dma_start3A_149] : memref<4096x200xi32, #tpu.memory_space<hbm>> -> memref<2x200xi32, #tpu.memory_space<hbm>>
      tpu.enqueue_dma source(%dma_start3A_150 : memref<2x200xi32, #tpu.memory_space<hbm>>) target(%arg10 : memref<2x200xi32, #tpu.memory_space<vmem>>) target_semaphore(%run_scoped3A : memref<!tpu.dma_semaphore, #tpu.memory_space<semaphore_mem>>)
      %dma_wait3A_151 = arith.constant 0 : i32
      %dma_wait3A_152 = tpu.memref_slice %arg2[%mul3A_35, %dma_wait3A_151] : memref<4096x200xi32, #tpu.memory_space<hbm>> -> memref<2x200xi32, #tpu.memory_space<hbm>>
      %dma_wait3A_153 = arith.constant 0 : i32
      %dma_wait3A_154 = tpu.memref_slice %arg2[%mul3A_35, %dma_wait3A_153] : memref<4096x200xi32, #tpu.memory_space<hbm>> -> memref<2x200xi32, #tpu.memory_space<hbm>>
      tpu.wait_dma2 semaphore(%run_scoped3A : memref<!tpu.dma_semaphore, #tpu.memory_space<semaphore_mem>>) src(%dma_wait3A_154 : memref<2x200xi32, #tpu.memory_space<hbm>>) dst(%arg10 : memref<2x200xi32, #tpu.memory_space<vmem>>)
      tpu.yield
    }) : () -> ()
    %dma_start3A_36 = arith.constant 0 : i32
    %dma_start3A_37 = arith.constant 0 : i32
    %dma_start3A_38 = arith.constant 0 : i32
    %dma_start3A_39 = arith.constant 0 : i32
    %dma_start3A_40 = tpu.memref_slice %arg8[%dma_start3A_37, %dma_start3A_38, %dma_start3A_39] : memref<2x200x64xf32, #tpu.memory_space<vmem>> -> memref<1x200x64xf32, #tpu.memory_space<vmem>>
    %dma_start3A_41 = tpu.memref_squeeze %dma_start3A_40 : memref<1x200x64xf32, #tpu.memory_space<vmem>> -> memref<200x64xf32, #tpu.memory_space<vmem>>
    %dma_start3A_42 = arith.constant 0 : i32
    %dma_start3A_43 = tpu.memref_slice %arg10[%dma_start3A_36, %dma_start3A_42] : memref<2x200xi32, #tpu.memory_space<vmem>> -> memref<1x200xi32, #tpu.memory_space<vmem>>
    %dma_start3A_44 = tpu.memref_squeeze %dma_start3A_43 : memref<1x200xi32, #tpu.memory_space<vmem>> -> memref<200xi32, #tpu.memory_space<vmem>>
    %dma_start3A_45 = arith.constant 0 : i32
    %dma_start3A_46 = arith.constant 0 : i32
    %dma_start3A_47 = tpu.memref_slice %arg3[%dma_start3A_45, %dma_start3A_46] : memref<100000x64xf32, #tpu.memory_space<hbm>> -> memref<100000x64xf32, #tpu.memory_space<hbm>>
    tpu.enqueue_indirect_dma source(%dma_start3A_47 : memref<100000x64xf32, #tpu.memory_space<hbm>>) target(%dma_start3A_41 : memref<200x64xf32, #tpu.memory_space<vmem>>) offsets(%dma_start3A_44 : memref<200xi32, #tpu.memory_space<vmem>>) semaphore(%arg12 : memref<!tpu.dma_semaphore, #tpu.memory_space<semaphore_mem>>) {add = true}
    %dma_start3A_48 = arith.constant 1 : i32
    %dma_start3A_49 = arith.constant 1 : i32
    %dma_start3A_50 = arith.constant 0 : i32
    %dma_start3A_51 = arith.constant 0 : i32
    %dma_start3A_52 = tpu.memref_slice %arg8[%dma_start3A_49, %dma_start3A_50, %dma_start3A_51] : memref<2x200x64xf32, #tpu.memory_space<vmem>> -> memref<1x200x64xf32, #tpu.memory_space<vmem>>
    %dma_start3A_53 = tpu.memref_squeeze %dma_start3A_52 : memref<1x200x64xf32, #tpu.memory_space<vmem>> -> memref<200x64xf32, #tpu.memory_space<vmem>>
    %dma_start3A_54 = arith.constant 0 : i32
    %dma_start3A_55 = tpu.memref_slice %arg10[%dma_start3A_48, %dma_start3A_54] : memref<2x200xi32, #tpu.memory_space<vmem>> -> memref<1x200xi32, #tpu.memory_space<vmem>>
    %dma_start3A_56 = tpu.memref_squeeze %dma_start3A_55 : memref<1x200xi32, #tpu.memory_space<vmem>> -> memref<200xi32, #tpu.memory_space<vmem>>
    %dma_start3A_57 = arith.constant 0 : i32
    %dma_start3A_58 = arith.constant 0 : i32
    %dma_start3A_59 = tpu.memref_slice %arg3[%dma_start3A_57, %dma_start3A_58] : memref<100000x64xf32, #tpu.memory_space<hbm>> -> memref<100000x64xf32, #tpu.memory_space<hbm>>
    tpu.enqueue_indirect_dma source(%dma_start3A_59 : memref<100000x64xf32, #tpu.memory_space<hbm>>) target(%dma_start3A_53 : memref<200x64xf32, #tpu.memory_space<vmem>>) offsets(%dma_start3A_56 : memref<200xi32, #tpu.memory_space<vmem>>) semaphore(%arg12 : memref<!tpu.dma_semaphore, #tpu.memory_space<semaphore_mem>>) {add = true}
    %dma_wait3A = arith.constant 0 : i32
    %dma_wait3A_60 = arith.constant 0 : i32
    %dma_wait3A_61 = arith.constant 0 : i32
    %dma_wait3A_62 = arith.constant 0 : i32
    %dma_wait3A_63 = tpu.memref_slice %arg7[%dma_wait3A_60, %dma_wait3A_61, %dma_wait3A_62] : memref<2x200x64xf32, #tpu.memory_space<vmem>> -> memref<1x200x64xf32, #tpu.memory_space<vmem>>
    %dma_wait3A_64 = tpu.memref_squeeze %dma_wait3A_63 : memref<1x200x64xf32, #tpu.memory_space<vmem>> -> memref<200x64xf32, #tpu.memory_space<vmem>>
    %dma_wait3A_65 = arith.constant 0 : i32
    %dma_wait3A_66 = tpu.memref_slice %arg9[%dma_wait3A, %dma_wait3A_65] : memref<2x200xi32, #tpu.memory_space<vmem>> -> memref<1x200xi32, #tpu.memory_space<vmem>>
    %dma_wait3A_67 = tpu.memref_squeeze %dma_wait3A_66 : memref<1x200xi32, #tpu.memory_space<vmem>> -> memref<200xi32, #tpu.memory_space<vmem>>
    %dma_wait3A_68 = arith.constant 0 : i32
    %dma_wait3A_69 = arith.constant 0 : i32
    %dma_wait3A_70 = tpu.memref_slice %arg3[%dma_wait3A_68, %dma_wait3A_69] : memref<100000x64xf32, #tpu.memory_space<hbm>> -> memref<100000x64xf32, #tpu.memory_space<hbm>>
    tpu.wait_indirect_dma semaphore(%arg11 : memref<!tpu.dma_semaphore, #tpu.memory_space<semaphore_mem>>) src(%dma_wait3A_70 : memref<100000x64xf32, #tpu.memory_space<hbm>>) dst(%dma_wait3A_64 : memref<200x64xf32, #tpu.memory_space<vmem>>)
    %dma_wait3A_71 = arith.constant 1 : i32
    %dma_wait3A_72 = arith.constant 1 : i32
    %dma_wait3A_73 = arith.constant 0 : i32
    %dma_wait3A_74 = arith.constant 0 : i32
    %dma_wait3A_75 = tpu.memref_slice %arg7[%dma_wait3A_72, %dma_wait3A_73, %dma_wait3A_74] : memref<2x200x64xf32, #tpu.memory_space<vmem>> -> memref<1x200x64xf32, #tpu.memory_space<vmem>>
    %dma_wait3A_76 = tpu.memref_squeeze %dma_wait3A_75 : memref<1x200x64xf32, #tpu.memory_space<vmem>> -> memref<200x64xf32, #tpu.memory_space<vmem>>
    %dma_wait3A_77 = arith.constant 0 : i32
    %dma_wait3A_78 = tpu.memref_slice %arg9[%dma_wait3A_71, %dma_wait3A_77] : memref<2x200xi32, #tpu.memory_space<vmem>> -> memref<1x200xi32, #tpu.memory_space<vmem>>
    %dma_wait3A_79 = tpu.memref_squeeze %dma_wait3A_78 : memref<1x200xi32, #tpu.memory_space<vmem>> -> memref<200xi32, #tpu.memory_space<vmem>>
    %dma_wait3A_80 = arith.constant 0 : i32
    %dma_wait3A_81 = arith.constant 0 : i32
    %dma_wait3A_82 = tpu.memref_slice %arg3[%dma_wait3A_80, %dma_wait3A_81] : memref<100000x64xf32, #tpu.memory_space<hbm>> -> memref<100000x64xf32, #tpu.memory_space<hbm>>
    tpu.wait_indirect_dma semaphore(%arg11 : memref<!tpu.dma_semaphore, #tpu.memory_space<semaphore_mem>>) src(%dma_wait3A_82 : memref<100000x64xf32, #tpu.memory_space<hbm>>) dst(%dma_wait3A_76 : memref<200x64xf32, #tpu.memory_space<vmem>>)
    %add3A_83 = arith.constant 0 : i32
    %add3A_84 = arith.addi %mul3A_2, %add3A_83 : i32
    %mul3A_85 = arith.constant 2 : i32
    %mul3A_86 = arith.muli %add3A_84, %mul3A_85 : i32
    %dma_start3A_87 = arith.constant 0 : i32
    %dma_start3A_88 = arith.constant 0 : i32
    %dma_start3A_89 = tpu.memref_slice %arg5[%mul3A_86, %dma_start3A_87, %dma_start3A_88] : memref<4096x200x64xf32, #tpu.memory_space<hbm>> -> memref<2x200x64xf32, #tpu.memory_space<hbm>>
    %dma_start3A_90 = arith.constant 0 : i32
    %dma_start3A_91 = arith.constant 0 : i32
    %dma_start3A_92 = tpu.memref_slice %arg5[%mul3A_86, %dma_start3A_90, %dma_start3A_91] : memref<4096x200x64xf32, #tpu.memory_space<hbm>> -> memref<2x200x64xf32, #tpu.memory_space<hbm>>
    tpu.enqueue_dma source(%arg7 : memref<2x200x64xf32, #tpu.memory_space<vmem>>) target(%dma_start3A_92 : memref<2x200x64xf32, #tpu.memory_space<hbm>>) target_semaphore(%arg13 : memref<!tpu.dma_semaphore, #tpu.memory_space<semaphore_mem>>)
    %scan3A = arith.constant 0 : i32
    %scan3A_93 = arith.constant 31 : i32
    %scan3A_94 = arith.addi %scan3A, %scan3A_93 : i32
    %scan3A_95 = arith.constant 1 : i32
    scf.for %scan3A_147 = %scan3A to %scan3A_94 step %scan3A_95  : i32 {
      %mul3A_148 = arith.constant 1 : i32
      %mul3A_149 = arith.muli %scan3A_147, %mul3A_148 : i32
      %add3A_150 = arith.constant 0 : i32
      %add3A_151 = arith.addi %add3A_150, %mul3A_149 : i32
      %mul3A_152 = arith.constant 2 : i32
      %mul3A_153 = arith.muli %mul3A_152, %add3A_151 : i32
      %add3A_154 = arith.constant 2 : i32
      %add3A_155 = arith.addi %add3A_154, %mul3A_153 : i32
      %dma_wait3A_156 = arith.constant 0 : i32
      %dma_wait3A_157 = arith.constant 0 : i32
      %dma_wait3A_158 = arith.constant 0 : i32
      %dma_wait3A_159 = tpu.memref_slice %arg5[%dma_wait3A_156, %dma_wait3A_157, %dma_wait3A_158] : memref<4096x200x64xf32, #tpu.memory_space<hbm>> -> memref<2x200x64xf32, #tpu.memory_space<hbm>>
      %dma_wait3A_160 = arith.constant 0 : i32
      %dma_wait3A_161 = arith.constant 0 : i32
      %dma_wait3A_162 = arith.constant 0 : i32
      %dma_wait3A_163 = tpu.memref_slice %arg5[%dma_wait3A_160, %dma_wait3A_161, %dma_wait3A_162] : memref<4096x200x64xf32, #tpu.memory_space<hbm>> -> memref<2x200x64xf32, #tpu.memory_space<hbm>>
      tpu.wait_dma2 semaphore(%arg13 : memref<!tpu.dma_semaphore, #tpu.memory_space<semaphore_mem>>) src(%arg7 : memref<2x200x64xf32, #tpu.memory_space<vmem>>) dst(%dma_wait3A_163 : memref<2x200x64xf32, #tpu.memory_space<hbm>>)
      "tpu.region"() ({
        %run_scoped3A = tpu.sem_alloc : memref<!tpu.dma_semaphore, #tpu.memory_space<semaphore_mem>>
        tpu.enqueue_dma source(%arg6 : memref<2x200x64xf32, #tpu.memory_space<vmem_shared>>) target(%arg7 : memref<2x200x64xf32, #tpu.memory_space<vmem>>) target_semaphore(%run_scoped3A : memref<!tpu.dma_semaphore, #tpu.memory_space<semaphore_mem>>)
        tpu.wait_dma2 semaphore(%run_scoped3A : memref<!tpu.dma_semaphore, #tpu.memory_space<semaphore_mem>>) src(%arg6 : memref<2x200x64xf32, #tpu.memory_space<vmem_shared>>) dst(%arg7 : memref<2x200x64xf32, #tpu.memory_space<vmem>>)
        tpu.yield
      }) : () -> ()
      %add3A_164 = arith.addi %mul3A_2, %add3A_155 : i32
      %mul3A_165 = arith.constant 2 : i32
      %mul3A_166 = arith.muli %add3A_164, %mul3A_165 : i32
      "tpu.region"() ({
        %run_scoped3A = tpu.sem_alloc : memref<!tpu.dma_semaphore, #tpu.memory_space<semaphore_mem>>
        %dma_start3A_295 = arith.constant 0 : i32
        %dma_start3A_296 = tpu.memref_slice %arg2[%mul3A_166, %dma_start3A_295] : memref<4096x200xi32, #tpu.memory_space<hbm>> -> memref<2x200xi32, #tpu.memory_space<hbm>>
        %dma_start3A_297 = arith.constant 0 : i32
        %dma_start3A_298 = tpu.memref_slice %arg2[%mul3A_166, %dma_start3A_297] : memref<4096x200xi32, #tpu.memory_space<hbm>> -> memref<2x200xi32, #tpu.memory_space<hbm>>
        tpu.enqueue_dma source(%dma_start3A_298 : memref<2x200xi32, #tpu.memory_space<hbm>>) target(%arg9 : memref<2x200xi32, #tpu.memory_space<vmem>>) target_semaphore(%run_scoped3A : memref<!tpu.dma_semaphore, #tpu.memory_space<semaphore_mem>>)
        %dma_wait3A_299 = arith.constant 0 : i32
        %dma_wait3A_300 = tpu.memref_slice %arg2[%mul3A_166, %dma_wait3A_299] : memref<4096x200xi32, #tpu.memory_space<hbm>> -> memref<2x200xi32, #tpu.memory_space<hbm>>
        %dma_wait3A_301 = arith.constant 0 : i32
        %dma_wait3A_302 = tpu.memref_slice %arg2[%mul3A_166, %dma_wait3A_301] : memref<4096x200xi32, #tpu.memory_space<hbm>> -> memref<2x200xi32, #tpu.memory_space<hbm>>
        tpu.wait_dma2 semaphore(%run_scoped3A : memref<!tpu.dma_semaphore, #tpu.memory_space<semaphore_mem>>) src(%dma_wait3A_302 : memref<2x200xi32, #tpu.memory_space<hbm>>) dst(%arg9 : memref<2x200xi32, #tpu.memory_space<vmem>>)
        tpu.yield
      }) : () -> ()
      %dma_start3A_167 = arith.constant 0 : i32
      %dma_start3A_168 = arith.constant 0 : i32
      %dma_start3A_169 = arith.constant 0 : i32
      %dma_start3A_170 = arith.constant 0 : i32
      %dma_start3A_171 = tpu.memref_slice %arg7[%dma_start3A_168, %dma_start3A_169, %dma_start3A_170] : memref<2x200x64xf32, #tpu.memory_space<vmem>> -> memref<1x200x64xf32, #tpu.memory_space<vmem>>
      %dma_start3A_172 = tpu.memref_squeeze %dma_start3A_171 : memref<1x200x64xf32, #tpu.memory_space<vmem>> -> memref<200x64xf32, #tpu.memory_space<vmem>>
      %dma_start3A_173 = arith.constant 0 : i32
      %dma_start3A_174 = tpu.memref_slice %arg9[%dma_start3A_167, %dma_start3A_173] : memref<2x200xi32, #tpu.memory_space<vmem>> -> memref<1x200xi32, #tpu.memory_space<vmem>>
      %dma_start3A_175 = tpu.memref_squeeze %dma_start3A_174 : memref<1x200xi32, #tpu.memory_space<vmem>> -> memref<200xi32, #tpu.memory_space<vmem>>
      %dma_start3A_176 = arith.constant 0 : i32
      %dma_start3A_177 = arith.constant 0 : i32
      %dma_start3A_178 = tpu.memref_slice %arg3[%dma_start3A_176, %dma_start3A_177] : memref<100000x64xf32, #tpu.memory_space<hbm>> -> memref<100000x64xf32, #tpu.memory_space<hbm>>
      tpu.enqueue_indirect_dma source(%dma_start3A_178 : memref<100000x64xf32, #tpu.memory_space<hbm>>) target(%dma_start3A_172 : memref<200x64xf32, #tpu.memory_space<vmem>>) offsets(%dma_start3A_175 : memref<200xi32, #tpu.memory_space<vmem>>) semaphore(%arg11 : memref<!tpu.dma_semaphore, #tpu.memory_space<semaphore_mem>>) {add = true}
      %dma_start3A_179 = arith.constant 1 : i32
      %dma_start3A_180 = arith.constant 1 : i32
      %dma_start3A_181 = arith.constant 0 : i32
      %dma_start3A_182 = arith.constant 0 : i32
      %dma_start3A_183 = tpu.memref_slice %arg7[%dma_start3A_180, %dma_start3A_181, %dma_start3A_182] : memref<2x200x64xf32, #tpu.memory_space<vmem>> -> memref<1x200x64xf32, #tpu.memory_space<vmem>>
      %dma_start3A_184 = tpu.memref_squeeze %dma_start3A_183 : memref<1x200x64xf32, #tpu.memory_space<vmem>> -> memref<200x64xf32, #tpu.memory_space<vmem>>
      %dma_start3A_185 = arith.constant 0 : i32
      %dma_start3A_186 = tpu.memref_slice %arg9[%dma_start3A_179, %dma_start3A_185] : memref<2x200xi32, #tpu.memory_space<vmem>> -> memref<1x200xi32, #tpu.memory_space<vmem>>
      %dma_start3A_187 = tpu.memref_squeeze %dma_start3A_186 : memref<1x200xi32, #tpu.memory_space<vmem>> -> memref<200xi32, #tpu.memory_space<vmem>>
      %dma_start3A_188 = arith.constant 0 : i32
      %dma_start3A_189 = arith.constant 0 : i32
      %dma_start3A_190 = tpu.memref_slice %arg3[%dma_start3A_188, %dma_start3A_189] : memref<100000x64xf32, #tpu.memory_space<hbm>> -> memref<100000x64xf32, #tpu.memory_space<hbm>>
      tpu.enqueue_indirect_dma source(%dma_start3A_190 : memref<100000x64xf32, #tpu.memory_space<hbm>>) target(%dma_start3A_184 : memref<200x64xf32, #tpu.memory_space<vmem>>) offsets(%dma_start3A_187 : memref<200xi32, #tpu.memory_space<vmem>>) semaphore(%arg11 : memref<!tpu.dma_semaphore, #tpu.memory_space<semaphore_mem>>) {add = true}
      %sub3A = arith.constant 1 : i32
      %sub3A_191 = arith.subi %add3A_155, %sub3A : i32
      %dma_wait3A_192 = arith.constant 0 : i32
      %dma_wait3A_193 = arith.constant 0 : i32
      %dma_wait3A_194 = arith.constant 0 : i32
      %dma_wait3A_195 = arith.constant 0 : i32
      %dma_wait3A_196 = tpu.memref_slice %arg8[%dma_wait3A_193, %dma_wait3A_194, %dma_wait3A_195] : memref<2x200x64xf32, #tpu.memory_space<vmem>> -> memref<1x200x64xf32, #tpu.memory_space<vmem>>
      %dma_wait3A_197 = tpu.memref_squeeze %dma_wait3A_196 : memref<1x200x64xf32, #tpu.memory_space<vmem>> -> memref<200x64xf32, #tpu.memory_space<vmem>>
      %dma_wait3A_198 = arith.constant 0 : i32
      %dma_wait3A_199 = tpu.memref_slice %arg10[%dma_wait3A_192, %dma_wait3A_198] : memref<2x200xi32, #tpu.memory_space<vmem>> -> memref<1x200xi32, #tpu.memory_space<vmem>>
      %dma_wait3A_200 = tpu.memref_squeeze %dma_wait3A_199 : memref<1x200xi32, #tpu.memory_space<vmem>> -> memref<200xi32, #tpu.memory_space<vmem>>
      %dma_wait3A_201 = arith.constant 0 : i32
      %dma_wait3A_202 = arith.constant 0 : i32
      %dma_wait3A_203 = tpu.memref_slice %arg3[%dma_wait3A_201, %dma_wait3A_202] : memref<100000x64xf32, #tpu.memory_space<hbm>> -> memref<100000x64xf32, #tpu.memory_space<hbm>>
      tpu.wait_indirect_dma semaphore(%arg12 : memref<!tpu.dma_semaphore, #tpu.memory_space<semaphore_mem>>) src(%dma_wait3A_203 : memref<100000x64xf32, #tpu.memory_space<hbm>>) dst(%dma_wait3A_197 : memref<200x64xf32, #tpu.memory_space<vmem>>)
      %dma_wait3A_204 = arith.constant 1 : i32
      %dma_wait3A_205 = arith.constant 1 : i32
      %dma_wait3A_206 = arith.constant 0 : i32
      %dma_wait3A_207 = arith.constant 0 : i32
      %dma_wait3A_208 = tpu.memref_slice %arg8[%dma_wait3A_205, %dma_wait3A_206, %dma_wait3A_207] : memref<2x200x64xf32, #tpu.memory_space<vmem>> -> memref<1x200x64xf32, #tpu.memory_space<vmem>>
      %dma_wait3A_209 = tpu.memref_squeeze %dma_wait3A_208 : memref<1x200x64xf32, #tpu.memory_space<vmem>> -> memref<200x64xf32, #tpu.memory_space<vmem>>
      %dma_wait3A_210 = arith.constant 0 : i32
      %dma_wait3A_211 = tpu.memref_slice %arg10[%dma_wait3A_204, %dma_wait3A_210] : memref<2x200xi32, #tpu.memory_space<vmem>> -> memref<1x200xi32, #tpu.memory_space<vmem>>
      %dma_wait3A_212 = tpu.memref_squeeze %dma_wait3A_211 : memref<1x200xi32, #tpu.memory_space<vmem>> -> memref<200xi32, #tpu.memory_space<vmem>>
      %dma_wait3A_213 = arith.constant 0 : i32
      %dma_wait3A_214 = arith.constant 0 : i32
      %dma_wait3A_215 = tpu.memref_slice %arg3[%dma_wait3A_213, %dma_wait3A_214] : memref<100000x64xf32, #tpu.memory_space<hbm>> -> memref<100000x64xf32, #tpu.memory_space<hbm>>
      tpu.wait_indirect_dma semaphore(%arg12 : memref<!tpu.dma_semaphore, #tpu.memory_space<semaphore_mem>>) src(%dma_wait3A_215 : memref<100000x64xf32, #tpu.memory_space<hbm>>) dst(%dma_wait3A_209 : memref<200x64xf32, #tpu.memory_space<vmem>>)
      %add3A_216 = arith.addi %mul3A_2, %sub3A_191 : i32
      %mul3A_217 = arith.constant 2 : i32
      %mul3A_218 = arith.muli %add3A_216, %mul3A_217 : i32
      %dma_start3A_219 = arith.constant 0 : i32
      %dma_start3A_220 = arith.constant 0 : i32
      %dma_start3A_221 = tpu.memref_slice %arg5[%mul3A_218, %dma_start3A_219, %dma_start3A_220] : memref<4096x200x64xf32, #tpu.memory_space<hbm>> -> memref<2x200x64xf32, #tpu.memory_space<hbm>>
      %dma_start3A_222 = arith.constant 0 : i32
      %dma_start3A_223 = arith.constant 0 : i32
      %dma_start3A_224 = tpu.memref_slice %arg5[%mul3A_218, %dma_start3A_222, %dma_start3A_223] : memref<4096x200x64xf32, #tpu.memory_space<hbm>> -> memref<2x200x64xf32, #tpu.memory_space<hbm>>
      tpu.enqueue_dma source(%arg8 : memref<2x200x64xf32, #tpu.memory_space<vmem>>) target(%dma_start3A_224 : memref<2x200x64xf32, #tpu.memory_space<hbm>>) target_semaphore(%arg14 : memref<!tpu.dma_semaphore, #tpu.memory_space<semaphore_mem>>)
      %add3A_225 = arith.constant 1 : i32
      %add3A_226 = arith.addi %add3A_155, %add3A_225 : i32
      %dma_wait3A_227 = arith.constant 0 : i32
      %dma_wait3A_228 = arith.constant 0 : i32
      %dma_wait3A_229 = arith.constant 0 : i32
      %dma_wait3A_230 = tpu.memref_slice %arg5[%dma_wait3A_227, %dma_wait3A_228, %dma_wait3A_229] : memref<4096x200x64xf32, #tpu.memory_space<hbm>> -> memref<2x200x64xf32, #tpu.memory_space<hbm>>
      %dma_wait3A_231 = arith.constant 0 : i32
      %dma_wait3A_232 = arith.constant 0 : i32
      %dma_wait3A_233 = arith.constant 0 : i32
      %dma_wait3A_234 = tpu.memref_slice %arg5[%dma_wait3A_231, %dma_wait3A_232, %dma_wait3A_233] : memref<4096x200x64xf32, #tpu.memory_space<hbm>> -> memref<2x200x64xf32, #tpu.memory_space<hbm>>
      tpu.wait_dma2 semaphore(%arg14 : memref<!tpu.dma_semaphore, #tpu.memory_space<semaphore_mem>>) src(%arg8 : memref<2x200x64xf32, #tpu.memory_space<vmem>>) dst(%dma_wait3A_234 : memref<2x200x64xf32, #tpu.memory_space<hbm>>)
      "tpu.region"() ({
        %run_scoped3A = tpu.sem_alloc : memref<!tpu.dma_semaphore, #tpu.memory_space<semaphore_mem>>
        tpu.enqueue_dma source(%arg6 : memref<2x200x64xf32, #tpu.memory_space<vmem_shared>>) target(%arg8 : memref<2x200x64xf32, #tpu.memory_space<vmem>>) target_semaphore(%run_scoped3A : memref<!tpu.dma_semaphore, #tpu.memory_space<semaphore_mem>>)
        tpu.wait_dma2 semaphore(%run_scoped3A : memref<!tpu.dma_semaphore, #tpu.memory_space<semaphore_mem>>) src(%arg6 : memref<2x200x64xf32, #tpu.memory_space<vmem_shared>>) dst(%arg8 : memref<2x200x64xf32, #tpu.memory_space<vmem>>)
        tpu.yield
      }) : () -> ()
      %add3A_235 = arith.addi %mul3A_2, %add3A_226 : i32
      %mul3A_236 = arith.constant 2 : i32
      %mul3A_237 = arith.muli %add3A_235, %mul3A_236 : i32
      "tpu.region"() ({
        %run_scoped3A = tpu.sem_alloc : memref<!tpu.dma_semaphore, #tpu.memory_space<semaphore_mem>>
        %dma_start3A_295 = arith.constant 0 : i32
        %dma_start3A_296 = tpu.memref_slice %arg2[%mul3A_237, %dma_start3A_295] : memref<4096x200xi32, #tpu.memory_space<hbm>> -> memref<2x200xi32, #tpu.memory_space<hbm>>
        %dma_start3A_297 = arith.constant 0 : i32
        %dma_start3A_298 = tpu.memref_slice %arg2[%mul3A_237, %dma_start3A_297] : memref<4096x200xi32, #tpu.memory_space<hbm>> -> memref<2x200xi32, #tpu.memory_space<hbm>>
        tpu.enqueue_dma source(%dma_start3A_298 : memref<2x200xi32, #tpu.memory_space<hbm>>) target(%arg10 : memref<2x200xi32, #tpu.memory_space<vmem>>) target_semaphore(%run_scoped3A : memref<!tpu.dma_semaphore, #tpu.memory_space<semaphore_mem>>)
        %dma_wait3A_299 = arith.constant 0 : i32
        %dma_wait3A_300 = tpu.memref_slice %arg2[%mul3A_237, %dma_wait3A_299] : memref<4096x200xi32, #tpu.memory_space<hbm>> -> memref<2x200xi32, #tpu.memory_space<hbm>>
        %dma_wait3A_301 = arith.constant 0 : i32
        %dma_wait3A_302 = tpu.memref_slice %arg2[%mul3A_237, %dma_wait3A_301] : memref<4096x200xi32, #tpu.memory_space<hbm>> -> memref<2x200xi32, #tpu.memory_space<hbm>>
        tpu.wait_dma2 semaphore(%run_scoped3A : memref<!tpu.dma_semaphore, #tpu.memory_space<semaphore_mem>>) src(%dma_wait3A_302 : memref<2x200xi32, #tpu.memory_space<hbm>>) dst(%arg10 : memref<2x200xi32, #tpu.memory_space<vmem>>)
        tpu.yield
      }) : () -> ()
      %dma_start3A_238 = arith.constant 0 : i32
      %dma_start3A_239 = arith.constant 0 : i32
      %dma_start3A_240 = arith.constant 0 : i32
      %dma_start3A_241 = arith.constant 0 : i32
      %dma_start3A_242 = tpu.memref_slice %arg8[%dma_start3A_239, %dma_start3A_240, %dma_start3A_241] : memref<2x200x64xf32, #tpu.memory_space<vmem>> -> memref<1x200x64xf32, #tpu.memory_space<vmem>>
      %dma_start3A_243 = tpu.memref_squeeze %dma_start3A_242 : memref<1x200x64xf32, #tpu.memory_space<vmem>> -> memref<200x64xf32, #tpu.memory_space<vmem>>
      %dma_start3A_244 = arith.constant 0 : i32
      %dma_start3A_245 = tpu.memref_slice %arg10[%dma_start3A_238, %dma_start3A_244] : memref<2x200xi32, #tpu.memory_space<vmem>> -> memref<1x200xi32, #tpu.memory_space<vmem>>
      %dma_start3A_246 = tpu.memref_squeeze %dma_start3A_245 : memref<1x200xi32, #tpu.memory_space<vmem>> -> memref<200xi32, #tpu.memory_space<vmem>>
      %dma_start3A_247 = arith.constant 0 : i32
      %dma_start3A_248 = arith.constant 0 : i32
      %dma_start3A_249 = tpu.memref_slice %arg3[%dma_start3A_247, %dma_start3A_248] : memref<100000x64xf32, #tpu.memory_space<hbm>> -> memref<100000x64xf32, #tpu.memory_space<hbm>>
      tpu.enqueue_indirect_dma source(%dma_start3A_249 : memref<100000x64xf32, #tpu.memory_space<hbm>>) target(%dma_start3A_243 : memref<200x64xf32, #tpu.memory_space<vmem>>) offsets(%dma_start3A_246 : memref<200xi32, #tpu.memory_space<vmem>>) semaphore(%arg12 : memref<!tpu.dma_semaphore, #tpu.memory_space<semaphore_mem>>) {add = true}
      %dma_start3A_250 = arith.constant 1 : i32
      %dma_start3A_251 = arith.constant 1 : i32
      %dma_start3A_252 = arith.constant 0 : i32
      %dma_start3A_253 = arith.constant 0 : i32
      %dma_start3A_254 = tpu.memref_slice %arg8[%dma_start3A_251, %dma_start3A_252, %dma_start3A_253] : memref<2x200x64xf32, #tpu.memory_space<vmem>> -> memref<1x200x64xf32, #tpu.memory_space<vmem>>
      %dma_start3A_255 = tpu.memref_squeeze %dma_start3A_254 : memref<1x200x64xf32, #tpu.memory_space<vmem>> -> memref<200x64xf32, #tpu.memory_space<vmem>>
      %dma_start3A_256 = arith.constant 0 : i32
      %dma_start3A_257 = tpu.memref_slice %arg10[%dma_start3A_250, %dma_start3A_256] : memref<2x200xi32, #tpu.memory_space<vmem>> -> memref<1x200xi32, #tpu.memory_space<vmem>>
      %dma_start3A_258 = tpu.memref_squeeze %dma_start3A_257 : memref<1x200xi32, #tpu.memory_space<vmem>> -> memref<200xi32, #tpu.memory_space<vmem>>
      %dma_start3A_259 = arith.constant 0 : i32
      %dma_start3A_260 = arith.constant 0 : i32
      %dma_start3A_261 = tpu.memref_slice %arg3[%dma_start3A_259, %dma_start3A_260] : memref<100000x64xf32, #tpu.memory_space<hbm>> -> memref<100000x64xf32, #tpu.memory_space<hbm>>
      tpu.enqueue_indirect_dma source(%dma_start3A_261 : memref<100000x64xf32, #tpu.memory_space<hbm>>) target(%dma_start3A_255 : memref<200x64xf32, #tpu.memory_space<vmem>>) offsets(%dma_start3A_258 : memref<200xi32, #tpu.memory_space<vmem>>) semaphore(%arg12 : memref<!tpu.dma_semaphore, #tpu.memory_space<semaphore_mem>>) {add = true}
      %dma_wait3A_262 = arith.constant 0 : i32
      %dma_wait3A_263 = arith.constant 0 : i32
      %dma_wait3A_264 = arith.constant 0 : i32
      %dma_wait3A_265 = arith.constant 0 : i32
      %dma_wait3A_266 = tpu.memref_slice %arg7[%dma_wait3A_263, %dma_wait3A_264, %dma_wait3A_265] : memref<2x200x64xf32, #tpu.memory_space<vmem>> -> memref<1x200x64xf32, #tpu.memory_space<vmem>>
      %dma_wait3A_267 = tpu.memref_squeeze %dma_wait3A_266 : memref<1x200x64xf32, #tpu.memory_space<vmem>> -> memref<200x64xf32, #tpu.memory_space<vmem>>
      %dma_wait3A_268 = arith.constant 0 : i32
      %dma_wait3A_269 = tpu.memref_slice %arg9[%dma_wait3A_262, %dma_wait3A_268] : memref<2x200xi32, #tpu.memory_space<vmem>> -> memref<1x200xi32, #tpu.memory_space<vmem>>
      %dma_wait3A_270 = tpu.memref_squeeze %dma_wait3A_269 : memref<1x200xi32, #tpu.memory_space<vmem>> -> memref<200xi32, #tpu.memory_space<vmem>>
      %dma_wait3A_271 = arith.constant 0 : i32
      %dma_wait3A_272 = arith.constant 0 : i32
      %dma_wait3A_273 = tpu.memref_slice %arg3[%dma_wait3A_271, %dma_wait3A_272] : memref<100000x64xf32, #tpu.memory_space<hbm>> -> memref<100000x64xf32, #tpu.memory_space<hbm>>
      tpu.wait_indirect_dma semaphore(%arg11 : memref<!tpu.dma_semaphore, #tpu.memory_space<semaphore_mem>>) src(%dma_wait3A_273 : memref<100000x64xf32, #tpu.memory_space<hbm>>) dst(%dma_wait3A_267 : memref<200x64xf32, #tpu.memory_space<vmem>>)
      %dma_wait3A_274 = arith.constant 1 : i32
      %dma_wait3A_275 = arith.constant 1 : i32
      %dma_wait3A_276 = arith.constant 0 : i32
      %dma_wait3A_277 = arith.constant 0 : i32
      %dma_wait3A_278 = tpu.memref_slice %arg7[%dma_wait3A_275, %dma_wait3A_276, %dma_wait3A_277] : memref<2x200x64xf32, #tpu.memory_space<vmem>> -> memref<1x200x64xf32, #tpu.memory_space<vmem>>
      %dma_wait3A_279 = tpu.memref_squeeze %dma_wait3A_278 : memref<1x200x64xf32, #tpu.memory_space<vmem>> -> memref<200x64xf32, #tpu.memory_space<vmem>>
      %dma_wait3A_280 = arith.constant 0 : i32
      %dma_wait3A_281 = tpu.memref_slice %arg9[%dma_wait3A_274, %dma_wait3A_280] : memref<2x200xi32, #tpu.memory_space<vmem>> -> memref<1x200xi32, #tpu.memory_space<vmem>>
      %dma_wait3A_282 = tpu.memref_squeeze %dma_wait3A_281 : memref<1x200xi32, #tpu.memory_space<vmem>> -> memref<200xi32, #tpu.memory_space<vmem>>
      %dma_wait3A_283 = arith.constant 0 : i32
      %dma_wait3A_284 = arith.constant 0 : i32
      %dma_wait3A_285 = tpu.memref_slice %arg3[%dma_wait3A_283, %dma_wait3A_284] : memref<100000x64xf32, #tpu.memory_space<hbm>> -> memref<100000x64xf32, #tpu.memory_space<hbm>>
      tpu.wait_indirect_dma semaphore(%arg11 : memref<!tpu.dma_semaphore, #tpu.memory_space<semaphore_mem>>) src(%dma_wait3A_285 : memref<100000x64xf32, #tpu.memory_space<hbm>>) dst(%dma_wait3A_279 : memref<200x64xf32, #tpu.memory_space<vmem>>)
      %add3A_286 = arith.addi %mul3A_2, %add3A_155 : i32
      %mul3A_287 = arith.constant 2 : i32
      %mul3A_288 = arith.muli %add3A_286, %mul3A_287 : i32
      %dma_start3A_289 = arith.constant 0 : i32
      %dma_start3A_290 = arith.constant 0 : i32
      %dma_start3A_291 = tpu.memref_slice %arg5[%mul3A_288, %dma_start3A_289, %dma_start3A_290] : memref<4096x200x64xf32, #tpu.memory_space<hbm>> -> memref<2x200x64xf32, #tpu.memory_space<hbm>>
      %dma_start3A_292 = arith.constant 0 : i32
      %dma_start3A_293 = arith.constant 0 : i32
      %dma_start3A_294 = tpu.memref_slice %arg5[%mul3A_288, %dma_start3A_292, %dma_start3A_293] : memref<4096x200x64xf32, #tpu.memory_space<hbm>> -> memref<2x200x64xf32, #tpu.memory_space<hbm>>
      tpu.enqueue_dma source(%arg7 : memref<2x200x64xf32, #tpu.memory_space<vmem>>) target(%dma_start3A_294 : memref<2x200x64xf32, #tpu.memory_space<hbm>>) target_semaphore(%arg13 : memref<!tpu.dma_semaphore, #tpu.memory_space<semaphore_mem>>)
    }
    %scan3A_96 = arith.constant 31 : i32
    %dma_wait3A_97 = arith.constant 0 : i32
    %dma_wait3A_98 = arith.constant 0 : i32
    %dma_wait3A_99 = arith.constant 0 : i32
    %dma_wait3A_100 = arith.constant 0 : i32
    %dma_wait3A_101 = tpu.memref_slice %arg8[%dma_wait3A_98, %dma_wait3A_99, %dma_wait3A_100] : memref<2x200x64xf32, #tpu.memory_space<vmem>> -> memref<1x200x64xf32, #tpu.memory_space<vmem>>
    %dma_wait3A_102 = tpu.memref_squeeze %dma_wait3A_101 : memref<1x200x64xf32, #tpu.memory_space<vmem>> -> memref<200x64xf32, #tpu.memory_space<vmem>>
    %dma_wait3A_103 = arith.constant 0 : i32
    %dma_wait3A_104 = tpu.memref_slice %arg10[%dma_wait3A_97, %dma_wait3A_103] : memref<2x200xi32, #tpu.memory_space<vmem>> -> memref<1x200xi32, #tpu.memory_space<vmem>>
    %dma_wait3A_105 = tpu.memref_squeeze %dma_wait3A_104 : memref<1x200xi32, #tpu.memory_space<vmem>> -> memref<200xi32, #tpu.memory_space<vmem>>
    %dma_wait3A_106 = arith.constant 0 : i32
    %dma_wait3A_107 = arith.constant 0 : i32
    %dma_wait3A_108 = tpu.memref_slice %arg3[%dma_wait3A_106, %dma_wait3A_107] : memref<100000x64xf32, #tpu.memory_space<hbm>> -> memref<100000x64xf32, #tpu.memory_space<hbm>>
    tpu.wait_indirect_dma semaphore(%arg12 : memref<!tpu.dma_semaphore, #tpu.memory_space<semaphore_mem>>) src(%dma_wait3A_108 : memref<100000x64xf32, #tpu.memory_space<hbm>>) dst(%dma_wait3A_102 : memref<200x64xf32, #tpu.memory_space<vmem>>)
    %dma_wait3A_109 = arith.constant 1 : i32
    %dma_wait3A_110 = arith.constant 1 : i32
    %dma_wait3A_111 = arith.constant 0 : i32
    %dma_wait3A_112 = arith.constant 0 : i32
    %dma_wait3A_113 = tpu.memref_slice %arg8[%dma_wait3A_110, %dma_wait3A_111, %dma_wait3A_112] : memref<2x200x64xf32, #tpu.memory_space<vmem>> -> memref<1x200x64xf32, #tpu.memory_space<vmem>>
    %dma_wait3A_114 = tpu.memref_squeeze %dma_wait3A_113 : memref<1x200x64xf32, #tpu.memory_space<vmem>> -> memref<200x64xf32, #tpu.memory_space<vmem>>
    %dma_wait3A_115 = arith.constant 0 : i32
    %dma_wait3A_116 = tpu.memref_slice %arg10[%dma_wait3A_109, %dma_wait3A_115] : memref<2x200xi32, #tpu.memory_space<vmem>> -> memref<1x200xi32, #tpu.memory_space<vmem>>
    %dma_wait3A_117 = tpu.memref_squeeze %dma_wait3A_116 : memref<1x200xi32, #tpu.memory_space<vmem>> -> memref<200xi32, #tpu.memory_space<vmem>>
    %dma_wait3A_118 = arith.constant 0 : i32
    %dma_wait3A_119 = arith.constant 0 : i32
    %dma_wait3A_120 = tpu.memref_slice %arg3[%dma_wait3A_118, %dma_wait3A_119] : memref<100000x64xf32, #tpu.memory_space<hbm>> -> memref<100000x64xf32, #tpu.memory_space<hbm>>
    tpu.wait_indirect_dma semaphore(%arg12 : memref<!tpu.dma_semaphore, #tpu.memory_space<semaphore_mem>>) src(%dma_wait3A_120 : memref<100000x64xf32, #tpu.memory_space<hbm>>) dst(%dma_wait3A_114 : memref<200x64xf32, #tpu.memory_space<vmem>>)
    %add3A_121 = arith.constant 63 : i32
    %add3A_122 = arith.addi %mul3A_2, %add3A_121 : i32
    %mul3A_123 = arith.constant 2 : i32
    %mul3A_124 = arith.muli %add3A_122, %mul3A_123 : i32
    %dma_start3A_125 = arith.constant 0 : i32
    %dma_start3A_126 = arith.constant 0 : i32
    %dma_start3A_127 = tpu.memref_slice %arg5[%mul3A_124, %dma_start3A_125, %dma_start3A_126] : memref<4096x200x64xf32, #tpu.memory_space<hbm>> -> memref<2x200x64xf32, #tpu.memory_space<hbm>>
    %dma_start3A_128 = arith.constant 0 : i32
    %dma_start3A_129 = arith.constant 0 : i32
    %dma_start3A_130 = tpu.memref_slice %arg5[%mul3A_124, %dma_start3A_128, %dma_start3A_129] : memref<4096x200x64xf32, #tpu.memory_space<hbm>> -> memref<2x200x64xf32, #tpu.memory_space<hbm>>
    tpu.enqueue_dma source(%arg8 : memref<2x200x64xf32, #tpu.memory_space<vmem>>) target(%dma_start3A_130 : memref<2x200x64xf32, #tpu.memory_space<hbm>>) target_semaphore(%arg14 : memref<!tpu.dma_semaphore, #tpu.memory_space<semaphore_mem>>)
    %dma_wait3A_131 = arith.constant 0 : i32
    %dma_wait3A_132 = arith.constant 0 : i32
    %dma_wait3A_133 = arith.constant 0 : i32
    %dma_wait3A_134 = tpu.memref_slice %arg5[%dma_wait3A_131, %dma_wait3A_132, %dma_wait3A_133] : memref<4096x200x64xf32, #tpu.memory_space<hbm>> -> memref<2x200x64xf32, #tpu.memory_space<hbm>>
    %dma_wait3A_135 = arith.constant 0 : i32
    %dma_wait3A_136 = arith.constant 0 : i32
    %dma_wait3A_137 = arith.constant 0 : i32
    %dma_wait3A_138 = tpu.memref_slice %arg5[%dma_wait3A_135, %dma_wait3A_136, %dma_wait3A_137] : memref<4096x200x64xf32, #tpu.memory_space<hbm>> -> memref<2x200x64xf32, #tpu.memory_space<hbm>>
    tpu.wait_dma2 semaphore(%arg13 : memref<!tpu.dma_semaphore, #tpu.memory_space<semaphore_mem>>) src(%arg7 : memref<2x200x64xf32, #tpu.memory_space<vmem>>) dst(%dma_wait3A_138 : memref<2x200x64xf32, #tpu.memory_space<hbm>>)
    %dma_wait3A_139 = arith.constant 0 : i32
    %dma_wait3A_140 = arith.constant 0 : i32
    %dma_wait3A_141 = arith.constant 0 : i32
    %dma_wait3A_142 = tpu.memref_slice %arg5[%dma_wait3A_139, %dma_wait3A_140, %dma_wait3A_141] : memref<4096x200x64xf32, #tpu.memory_space<hbm>> -> memref<2x200x64xf32, #tpu.memory_space<hbm>>
    %dma_wait3A_143 = arith.constant 0 : i32
    %dma_wait3A_144 = arith.constant 0 : i32
    %dma_wait3A_145 = arith.constant 0 : i32
    %dma_wait3A_146 = tpu.memref_slice %arg5[%dma_wait3A_143, %dma_wait3A_144, %dma_wait3A_145] : memref<4096x200x64xf32, #tpu.memory_space<hbm>> -> memref<2x200x64xf32, #tpu.memory_space<hbm>>
    tpu.wait_dma2 semaphore(%arg14 : memref<!tpu.dma_semaphore, #tpu.memory_space<semaphore_mem>>) src(%arg8 : memref<2x200x64xf32, #tpu.memory_space<vmem>>) dst(%dma_wait3A_146 : memref<2x200x64xf32, #tpu.memory_space<hbm>>)
    return
  }
}

</mosaic_0001>

<sc_bundles>
// kernel: kernel.3.cloned.1.call-start
scs
__scs_entry_jumppad:
0x0: {  	(pc) =	sbr.rel $0x88, $3  }
0x1: {  	(tag) =	ssettag $0x0;
	lr =	simm.s32 $0x1  }
0x2: {  	[smem:$0x3F9E] =	sst lr;
	_ =	strace $0xD0000000  }
0x3: {  	_ = 	snop  }
0x4: {  	_ = 	snop  }
0x5: {  	_ = 	snop  }
0x6: {  	_ = 	snop  }
0x7: {  	_ = 	snop  }
__scs_overlays_trampoline_lowered:
0x8: {  	[smem:$0x3FAD] =	sst s0  }
0x9: {  	[smem:$0x3FAE] =	sst s1  }
0xa: {  	[smem:$0x3FAF] =	sst s2  }
0xb: {  	[smem:$0x3FB0] =	sst s3  }
0xc: {  	[smem:$0x3FB1] =	sst s4  }
0xd: {  	[smem:$0x3FB2] =	sst s5  }
0xe: {  	[smem:$0x3FB3] =	sst s6  }
0xf: {  	[smem:$0x3FB4] =	sst s7  }
0x10: {  	[smem:$0x3FB5] =	sst s8  }
0x11: {  	[smem:$0x3FB6] =	sst s9;
	s0 =	simm.s32 @!p0 $0x0  }
0x12: {  	s1 =	sld [smem:$0x3F9C];
	s0 =	simm.s32 @p0 $0x1  }
0x13: {  	[smem:$0x3FB7] =	sst s0;
	s0 =	simm.s32 @!p1 $0x0  }
0x14: {  	s2 =	sld [smem:$0x3F9B];
	s0 =	simm.s32 @p1 $0x1  }
0x15: {  	[smem:$0x3FB8] =	sst s0;
	s0 =	simm.s32 @!p2 $0x0  }
0x16: {  	s3 =	sld [smem:$0x3FDB];
	s0 =	simm.s32 @p2 $0x1  }
0x17: {  	s4 =	simm.s32 $0x1BF5;
	[smem:$0x3FBA] =	sst s0  }
0x18: {  	s0 =	sld [smem:$0x3F9D];
	_ =	swait.ge [sflag:s4], $0x0  }
0x19: {  	s7 =	sld [smem:$0x3F9E]  }
0x1a: {  	s8 =	sadd.s32 $0xFFFFE003, lr  }
0x1b: {  	s9 =	sadd.s32 $0xFFFFFEF7, lr;
	s5 =	simm.s32 $0xFFFFFFFF;
	p2 =	slt.u32 s8, $0xFFFFF086  }
0x1c: {  	p1 =	slt.u32 s9, $0xF7A;
	s5 =	simm.s32 @!p2 $0x0  }
0x1d: {  	s5 =	simm.s32 @p1 $0x1;
	p0 =	seq.s32 s7, s2  }
0x1e: {  	s7 =	smul.u32 @!p0 $0xF7A, s2;
	p2 =	seq.s32 @!p0 s5, $0x0  }
0x1f: {  	s9 =	smul.u32 $0xF7A, s1;
	s8 =	simm.s32 @!p0 $0x1BF5;
	p2 =	por !p2, p0  }
0x20: {  	[sflag:s8] =	ssyncset.s32 @!p0 $0xFFFFF086;
	s6 =	sadd.s32 @!p0 s3, s7;
	s7 =	simm.s32 @!p0 $0x108  }
0x21: {  	s3 =	sadd.s32 s3, s9;
	s6 =	sadd.s32 @!p0 $0x88, s6;
	s7 =	simm.s32 @p2 $0x1082  }
0x22: {  	[simem:s7], [sflag:s8] =	dma.local @!p0 [hbm:s6], $0xF7A  }
0x23: {  	s9 =	sor.u32 $0xD0000000, s2;
	s6 =	simm.s32 $0x108;
	_ =	swait.ge @!p0 [sflag:s8], $0x0  }
0x24: {  	s3 =	sadd.s32 $0x88, s3;
	s6 =	simm.s32 @!p1 $0x1082;
	[sflag:s4] =	ssyncset.s32 $0xFFFFF086  }
0x25: {  	[simem:s6], [sflag:s4] =	dma.local [hbm:s3], $0xF7A  }
0x26: {  	[smem:$0x3F9E] =	sst s1;
	(tag) =	ssettag s2;
	_ =	strace s9  }
0x27: {  	s1 =	sld [smem:$0x3FAE]  }
0x28: {  	s2 =	sld [smem:$0x3FAF]  }
0x29: {  	s4 =	sld [smem:$0x3FB1]  }
0x2a: {  	p0 =	seq.s32 s5, $0x0;
	s5 =	sld [smem:$0x3FB2]  }
0x2b: {  	s6 =	sld [smem:$0x3FB3]  }
0x2c: {  	s7 =	sld [smem:$0x3FB4]  }
0x2d: {  	s3 =	simm.s32 $0x108;
	s8 =	sld [smem:$0x3FB5]  }
0x2e: {  	s3 =	simm.s32 @!p0 $0x1082;
	s9 =	sld [smem:$0x3FB6]  }
0x2f: {  	lr =	sadd.s32 s0, s3;
	s0 =	sld [smem:$0x3FAD]  }
0x30: {  	s3 =	sld [smem:$0x3FB0]  }
0x31: {  	[smem:$0x3FB9] =	sst s10  }
0x32: {  	s10 =	sld [smem:$0x3FB7];
	_ =	sdelay $0x3  }
0x33: {  	p0 =	seq.s32 s10, $0x1;
	s10 =	sld [smem:$0x3FB9];
	_ =	sdelay $0x3  }
0x34: {  	[smem:$0x3FB9] =	sst s10  }
0x35: {  	s10 =	sld [smem:$0x3FB8];
	_ =	sdelay $0x3  }
0x36: {  	p1 =	seq.s32 s10, $0x1;
	s10 =	sld [smem:$0x3FB9];
	_ =	sdelay $0x3  }
0x37: {  	[smem:$0x3FB9] =	sst s10  }
0x38: {  	s10 =	sld [smem:$0x3FBA]  }
0x39: {  	_ = 	snop;
	(pc) =	sbr.ind lr, $3  }
0x3a: {  	_ = 	snop  }
0x3b: {  	_ = 	snop  }
0x3c: {  	p2 =	seq.s32 s10, $0x1;
	s10 =	sld [smem:$0x3FB9]  }
0x3d: {  	_ =	shalt  }
0x3e: {  	_ =	shalt  }
0x3f: {  	_ =	shalt  }
0x40: {  	_ =	shalt  }
0x41: {  	_ =	shalt  }
0x42: {  	_ =	shalt  }
0x43: {  	_ =	shalt  }
0x44: {  	_ =	shalt  }
0x45: {  	_ =	shalt  }
0x46: {  	_ =	shalt  }
0x47: {  	_ =	shalt  }
0x48: {  	_ =	shalt  }
0x49: {  	_ =	shalt  }
0x4a: {  	_ =	shalt  }
0x4b: {  	_ =	shalt  }
0x4c: {  	_ =	shalt  }
0x4d: {  	_ =	shalt  }
0x4e: {  	_ =	shalt  }
0x4f: {  	_ =	shalt  }
0x50: {  	_ =	shalt  }
0x51: {  	_ =	shalt  }
0x52: {  	_ =	shalt  }
0x53: {  	_ =	shalt  }
0x54: {  	_ =	shalt  }
0x55: {  	_ =	shalt  }
0x56: {  	_ =	shalt  }
0x57: {  	_ =	shalt  }
0x58: {  	_ =	shalt  }
0x59: {  	_ =	shalt  }
0x5a: {  	_ =	shalt  }
0x5b: {  	_ =	shalt  }
0x5c: {  	_ =	shalt  }
0x5d: {  	_ =	shalt  }
0x5e: {  	_ =	shalt  }
0x5f: {  	_ =	shalt  }
0x60: {  	_ =	shalt  }
0x61: {  	_ =	shalt  }
0x62: {  	_ =	shalt  }
0x63: {  	_ =	shalt  }
0x64: {  	_ =	shalt  }
0x65: {  	_ =	shalt  }
0x66: {  	_ =	shalt  }
0x67: {  	_ =	shalt  }
0x68: {  	_ =	shalt  }
0x69: {  	_ =	shalt  }
0x6a: {  	_ =	shalt  }
0x6b: {  	_ =	shalt  }
0x6c: {  	_ =	shalt  }
0x6d: {  	_ =	shalt  }
0x6e: {  	_ =	shalt  }
0x6f: {  	_ =	shalt  }
0x70: {  	_ =	shalt  }
0x71: {  	_ =	shalt  }
0x72: {  	_ =	shalt  }
0x73: {  	_ =	shalt  }
0x74: {  	_ =	shalt  }
0x75: {  	_ =	shalt  }
0x76: {  	_ =	shalt  }
0x77: {  	_ =	shalt  }
0x78: {  	_ =	shalt  }
0x79: {  	_ =	shalt  }
0x7a: {  	_ =	shalt  }
0x7b: {  	_ =	shalt  }
0x7c: {  	_ =	shalt  }
0x7d: {  	_ =	shalt  }
0x7e: {  	_ =	shalt  }
0x7f: {  	_ =	shalt  }
0x80: {  	_ =	shalt  }
0x81: {  	_ =	shalt  }
0x82: {  	_ =	shalt  }
0x83: {  	_ =	shalt  }
0x84: {  	_ =	shalt  }
0x85: {  	_ =	shalt  }
0x86: {  	_ =	shalt  }
0x87: {  	_ =	shalt  }
.Lfunc_end0:
.L_simem_size_0:
called_computation.1_lowered:
.L_overlay_start_0:
0x88: {  	s2 =	sld [smem:$0x3FD9]  }
0x89: {  	s3 =	sld [smem:$0x3FFE];
	_ =	sdelay $0x1  }
0x8a: {  	s1 =	srdreg.scid  }
0x8b: {  	s0 =	sand.u32 $0x1, s1  }
0x8c: {  	s17 =	sshll.u32 s0, $0xA;
	s2 =	sadd.s32 s3, s2  }
0x8d: {  	s2 =	sadd.s32 s2, s17  }
0x8e: {  	[smem:$0x3FC5] =	sst s2  }
0x8f: {  	_ = 	snop  }
0x90: {  	s2 =	sld [smem:$0x3FD0];
	(tm) =	ssettm $0x1  }
0x91: {  	s18 =	sld [smem:$0x3FFB];
	_ =	sdelay $0x3  }
0x92: {  	_ =	strace s18  }
0x93: {  	s3 =	sld [smem:$0x3FFC];
	_ =	sdelay $0x3  }
0x94: {  	_ =	strace s3  }
0x95: {  	s3 =	sld [smem:$0x3FFD];
	_ =	sdelay $0x3  }
0x96: {  	_ =	strace s3  }
0x97: {  	_ =	strace $0x8FFFFFFF  }
0x98: {  	s19 =	sld [smem:$0x3FDB];
	_ =	sdelay $0x1  }
0x99: {  	s4 =	simm.s32 $_scs_section_size  }
0x9a: {  	s5 =	simm.s32 $_size__tile_overlayer_lowered;
	s6 =	simm.s32 $_tile_overlayer_lowered  }
0x9b: {  	s22 =	simm.s32 $0x1BFF;
	s21 =	sshll.u32 s6, $0x1;
	s3 =	sadd.s32 s4, s19  }
0x9c: {  	s7 =	simm.s32 $0x0;
	s20 =	sshll.u32 s5, $0x1;
	s5 =	sadd.s32 s21, s3  }
0x9d: {  	[timem:s7], [sflag:s22] =	dma.local [hbm:s5], s20  }
0x9e: {  	_ =	swait.ge [sflag:s22], s20  }
0x9f: {  	s4 =	ssub.s32 $0x0, s20;
	[sflag:s22] =	ssyncset.done $0x0  }
0xa0: {  	[sflag:s22] =	ssyncadd.s32 s4;
	_ =	sdelay $0x1  }
0xa1: {  	s23 =	simm.s32 $0x1B8B  }
0xa2: {  	_ =	swait.ge [sflag:s23], $0x1  }
0xa3: {  	[sflag:s23] =	ssyncset.done $0x0  }
0xa4: {  	s25 =	simm.s32 $0x1B8E;
	s24 =	sld [smem:$0x3FFE];
	[sflag:s23] =	ssyncadd.s32 $0xFFFFFFFF  }
0xa5: {  	s26 =	simm.s32 $execute0_lowered;
	[smem:$0x3FD2] =	sst s25  }
0xa6: {  	s5 =	sshll.u32 s26, $0x1;
	_ =	strace $0x80000046;
	[dreg:$0x1] =	wrdreg $0xFFFFFFFF  }
0xa7: {  	s28 =	simm.s32 $_size_execute0_lowered;
	s3 =	sadd.s32 s3, s5;
	[dreg:$0x0] =	wrdreg $0x0  }
0xa8: {  	s5 =	sshll.u32 s28, $0x1;
	[dreg:$0x2] =	wrdreg s3  }
0xa9: {  	[dreg:$0x3] =	wrdreg s5  }
0xaa: {  	[dreg:$0x4] =	wrdreg $0xC0  }
0xab: {  	_ =	task [dreg:s7], $0x5FFFF  }
0xac: {  	[dreg:$0x1] =	wrdreg $0xFFFFFFFF  }
0xad: {  	[dreg:$0x0] =	wrdreg $0x60  }
0xae: {  	[dreg:$0x2] =	wrdreg s24  }
0xaf: {  	[dreg:$0x3] =	wrdreg s2  }
0xb0: {  	[dreg:$0x4] =	wrdreg $0x0  }
0xb1: {  	[dreg:$0x5] =	wrdreg $0x9  }
0xb2: {  	_ =	task.clear_ibuf [dreg:s7], $0x6FFFF;
	_ =	strace $0x90000046  }
0xb3: {  	s29 =	simm.s32 $0x9;
	_ =	strace $0x80000048  }
0xb4: {  	_ =	swait.ge [sflag:s29], $0x1  }
0xb5: {  	[sflag:s29] =	ssyncadd.s32 $0xFFFFFFFF  }
0xb6: {  	_ =	strace $0x90000048  }
0xb7: {  	_ =	sfence  }
0xb8: {  	s30 =	sld [smem:$0x0];
	_ =	sdelay $0x2  }
0xb9: {  	s31 =	sshll.u32 s1, $0xD;
	s1 =	sshrl.u32 s1, $0x2  }
0xba: {  	s3 =	sand.u32 $0x4000, s31;
	s1 =	sadd.s32 s1, s30  }
0xbb: {  	s0 =	sor.u32 s3, s0;
	s1 =	sshll.u32 s1, $0x11  }
0xbc: {  	s0 =	sor.u32 s1, s0  }
0xbd: {  	s0 =	sadd.s32 $0x8F2B, s0  }
0xbe: {  	[sflag:s0] =	ssyncadd.remote.s32 $0x1  }
0xbf: {  	_ =	sfence.sel $0xFFFF  }
0xc0: {  	[dreg:$0x0] =	wrdreg $0xFFFFFFFF;
	(pc) =	sbr.abs _section_cstart, $3  }
0xc1: {  	[dreg:$0x1] =	wrdreg $0xFFFFFFFF  }
0xc2: {  	_ =	task.clear_ibuf [dreg:s7], $0x2FFFF;
	_ =	strace $0x9FFFFFFF  }
0xc3: {  	(tm) =	ssettm $0x7FFFFFFF  }
tec
execute0_lowered:
.L_overlay_start_1:
0x0: {  	(tag) =	ssettag $0x1  }
0x1: {  	s4 =	rddreg [dreg:$0x0]  }
0x2: {  	s10 =	rddreg [dreg:$0x1]  }
0x3: {  	s1 =	rddreg [dreg:$0x2]  }
0x4: {  	s2 =	simm.s32 $0x0;
	s3 =	srdreg.scid;
	s13 =	stileid.u32  }
0x5: {  	s18 =	simm.s32 $0x3840;
	s19 =	simm.s32 $0x6A40;
	s20 =	simm.s32 $0xCFD0  }
0x6: {  	s21 =	simm.s32 $0xD098;
	s22 =	simm.s32 $0x9C40;
	s23 =	simm.s32 $0x1  }
0x7: {  	s24 =	simm.s32 $0x3;
	s28 =	simm.s32 $0x0;
	[smem:$0x7FF] =	sst s2  }
0x8: {  	s11 =	sand.u32 $0x1, s3;
	s25 =	sshll.u32 s13, $0x1;
	s15 =	smul.u32 $0x1900, s13  }
0x9: {  	s12 =	sadd.s32 $0x1000, s4;
	s3 =	sadd.s32 $0x1A000, s4;
	s17 =	smul.u32 $0x64000, s13  }
0xa: {  	s0 =	sadd.s32 $0x800, s4;
	p0 =	sne.s32 s13, $0x0;
	s30 =	smul.u32 $0x32000, s11  }
0xb: {  	s5 =	sor.u32 s11, s25;
	s6 =	ssub.s32 $0x2, s11;
	s11 =	smul.u32 $0xC80, s11  }
0xc: {  	s13 =	simm.s32 $0x640;
	_ =	strace $0x80000047;
	s7 =	smul.u32 $0xC80, s5  }
0xd: {  	[dreg:$0x4] =	wrdreg s0;
	s25 =	simm.s32 $0x2;
	s9 =	smul.u32 $0x32000, s5  }
0xe: {  	s8 =	sshrl.u32 s6, $0x1;
	s26 =	smul.u32 $0x190000, s5;
	s17 =	sadd.s32 s17, s10  }
0xf: {  	s5 =	sadd.s32 $0x3200, s1;
	s14 =	ssub.s32 s6, s8;
	s31 =	sadd.s32 s30, s17  }
0x10: {  	s17 =	simm.s32 $0xCF08;
	s6 =	sadd.s32 s12, s7;
	s16 =	sshrl.u32 s26, $0x3  }
0x11: {  	s8 =	sadd.s32 s10, s9;
	s12 =	sadd.s32 s15, s12;
	s15 =	simm.s32 $0xCE40  }
0x12: {  	s26 =	simm.s32 $0x4;
	s7 =	sadd.s32 $0x32, s6;
	s29 =	sadd.s32 s10, s16  }
0x13: {  	s10 =	smax.u32 s14, $0x1;
	s11 =	sadd.s32 s11, s12;
	s12 =	sadd.s32 $0x1900, s31  }
0x14: {  	s14 =	simm.s32 $0x5;
	s16 =	simm.s32 $0xC8;
	s9 =	sadd.s32 $0x31380, s29  }
.LBB2_1:
0x15: {  	s29 =	simm.s32 @!p0 $0x0;
	s30 =	simm.s32 @!p0 $0x640;
	s0 =	rddreg [dreg:$0x4]  }
0x16: {  	[tilespmem:s30], [sflag:$0x5] =	stream.linear.gather @!p0 [hbm4b:s0+s29], $0x3200, $0x38;
	[tilespmem:$0xD160] =	vst v63  }
0x17: {  	s29 =	simm.s32 @!p0 $0x5  }
0x18: {  	_ =	swait.ge @!p0 [sflag:s29], $0x3200  }
0x19: {  	[sflag:s29] =	ssyncset.done @!p0 $0x0  }
0x1a: {  	[sflag:s29] =	ssyncadd.s32 @!p0 $0xFFFFCE00  }
0x1b: {  	[spmem:s1] =	stream.linear.scatter @!p0 [tilespmem:s30], [sflag:$0x5], $0x3200, $0x38;
	[tilespmem:$0xD160] =	vst v63  }
0x1c: {  	_ =	swait.ge @!p0 [sflag:s29], $0x3200  }
0x1d: {  	[sflag:s29] =	ssyncset.done @!p0 $0x0  }
0x1e: {  	[sflag:s29] =	ssyncadd.s32 @!p0 $0xFFFFCE00  }
0x1f: {  	[spmem:s5] =	stream.linear.scatter @!p0 [tilespmem:s30], [sflag:$0x5], $0x3200, $0x38;
	[tilespmem:$0xD160] =	vst v63  }
0x20: {  	_ =	swait.ge @!p0 [sflag:s29], $0x3200  }
0x21: {  	[sflag:s29] =	ssyncset.done @!p0 $0x0  }
0x22: {  	[sflag:s29] =	ssyncadd.s32 @!p0 $0xFFFFCE00  }
0x23: {  	[bflag:$0x0] =	sbarrier.arrive $0xFFFF  }
0x24: {  	[tilespmem:s13], [sflag:$0x5] =	stream.linear.gather [spmem:s1], $0x6400, $0x38;
	[tilespmem:$0xD160] =	vst v63  }
0x25: {  	_ =	swait.ge [sflag:s14], $0x6400  }
0x26: {  	[sflag:s14] =	ssyncset.done $0x0  }
0x27: {  	[sflag:s14] =	ssyncadd.s32 $0xFFFF9C00  }
0x28: {  	[tilespmem:s15], [sflag:$0x5] =	stream.linear.gather [hbm4b:s6+s2], $0x190, $0x38;
	[tilespmem:$0xD160] =	vst v63  }
0x29: {  	_ =	swait.ge [sflag:s14], $0x190  }
0x2a: {  	[sflag:s14] =	ssyncset.done $0x0  }
0x2b: {  	[sflag:s14] =	ssyncadd.s32 $0xFFFFFE70  }
0x2c: {  	[tilespmem:s13], [sflag:$0x1] =	stream.indirect.gather.add.f32 [hbm:s3], $0x40, s15, s16, $0xb8;
	[tilespmem:$0xD160] =	vst v63  }
0x2d: {  	_ = 	snop  }
0x2e: {  	[tilespmem:s18], [sflag:$0x1] =	stream.indirect.gather.add.f32 [hbm:s3], $0x40, s17, s16, $0xb8;
	[tilespmem:$0xD160] =	vst v63  }
0x2f: {  	_ = 	snop  }
0x30: {  	[tilespmem:s19], [sflag:$0x5] =	stream.linear.gather [spmem:s1], $0x6400, $0x38;
	[tilespmem:$0xD160] =	vst v63  }
0x31: {  	_ =	swait.ge [sflag:s14], $0x6400  }
0x32: {  	[sflag:s14] =	ssyncset.done $0x0  }
0x33: {  	[sflag:s14] =	ssyncadd.s32 $0xFFFF9C00  }
0x34: {  	[tilespmem:s20], [sflag:$0x5] =	stream.linear.gather [hbm4b:s7+s2], $0x190, $0x38;
	[tilespmem:$0xD160] =	vst v63  }
0x35: {  	_ =	swait.ge [sflag:s14], $0x190  }
0x36: {  	[sflag:s14] =	ssyncset.done $0x0  }
0x37: {  	[sflag:s14] =	ssyncadd.s32 $0xFFFFFE70  }
0x38: {  	[tilespmem:s19], [sflag:$0x2] =	stream.indirect.gather.add.f32 [hbm:s3], $0x40, s20, s16, $0xb8;
	[tilespmem:$0xD160] =	vst v63  }
0x39: {  	_ = 	snop  }
0x3a: {  	[tilespmem:s22], [sflag:$0x2] =	stream.indirect.gather.add.f32 [hbm:s3], $0x40, s21, s16, $0xb8;
	[tilespmem:$0xD160] =	vst v63  }
0x3b: {  	_ =	swait.ge [sflag:s23], $0x3200  }
0x3c: {  	[sflag:s23] =	ssyncset.done $0x0  }
0x3d: {  	[sflag:s23] =	ssyncadd.s32 $0xFFFFCE00  }
0x3e: {  	_ =	swait.ge [sflag:s23], $0x3200  }
0x3f: {  	[sflag:s23] =	ssyncset.done $0x0  }
0x40: {  	[sflag:s23] =	ssyncadd.s32 $0xFFFFCE00  }
0x41: {  	[hbm4b:s8+s2] =	stream.linear.scatter [tilespmem:s13], [sflag:$0x3], $0x6400, $0x38;
	[tilespmem:$0xD160] =	vst v63  }
0x42: {  	_ =	swait.ge [sflag:s24], $0x6400  }
0x43: {  	[sflag:s24] =	ssyncset.done $0x0  }
0x44: {  	[sflag:s24] =	ssyncadd.s32 $0xFFFF9C00  }
0x45: {  	[tilespmem:s13], [sflag:$0x5] =	stream.linear.gather [spmem:s1], $0x6400, $0x38;
	[tilespmem:$0xD160] =	vst v63  }
0x46: {  	_ =	swait.ge [sflag:s14], $0x6400  }
0x47: {  	s29 =	sadd.s32 $0x0, s11;
	[sflag:s14] =	ssyncset.done $0x0  }
0x48: {  	s30 =	sadd.s32 $0x64, s29;
	[sflag:s14] =	ssyncadd.s32 $0xFFFF9C00  }
0x49: {  	[tilespmem:s15], [sflag:$0x5] =	stream.linear.gather [hbm4b:s30+s2], $0x190, $0x38;
	[tilespmem:$0xD160] =	vst v63  }
0x4a: {  	_ =	swait.ge [sflag:s14], $0x190  }
0x4b: {  	[sflag:s14] =	ssyncset.done $0x0  }
0x4c: {  	[sflag:s14] =	ssyncadd.s32 $0xFFFFFE70  }
0x4d: {  	[tilespmem:s13], [sflag:$0x1] =	stream.indirect.gather.add.f32 [hbm:s3], $0x40, s15, s16, $0xb8;
	[tilespmem:$0xD160] =	vst v63  }
0x4e: {  	_ = 	snop  }
0x4f: {  	[tilespmem:s18], [sflag:$0x1] =	stream.indirect.gather.add.f32 [hbm:s3], $0x40, s17, s16, $0xb8;
	[tilespmem:$0xD160] =	vst v63  }
0x50: {  	_ =	swait.ge [sflag:s25], $0x3200  }
0x51: {  	[sflag:s25] =	ssyncset.done $0x0  }
0x52: {  	[sflag:s25] =	ssyncadd.s32 $0xFFFFCE00  }
0x53: {  	_ =	swait.ge [sflag:s25], $0x3200  }
0x54: {  	[sflag:s25] =	ssyncset.done $0x0  }
0x55: {  	s30 =	sadd.s32 $0xFFFFF380, s12;
	[sflag:s25] =	ssyncadd.s32 $0xFFFFCE00  }
0x56: {  	[hbm4b:s30+s2] =	stream.linear.scatter [tilespmem:s19], [sflag:$0x4], $0x6400, $0x38;
	[tilespmem:$0xD160] =	vst v63  }
0x57: {  	_ =	swait.ge [sflag:s26], $0x6400  }
0x58: {  	[sflag:s26] =	ssyncset.done $0x0  }
0x59: {  	[sflag:s26] =	ssyncadd.s32 $0xFFFF9C00  }
0x5a: {  	[tilespmem:s19], [sflag:$0x5] =	stream.linear.gather [spmem:s1], $0x6400, $0x38;
	[tilespmem:$0xD160] =	vst v63  }
0x5b: {  	_ =	swait.ge [sflag:s14], $0x6400  }
0x5c: {  	[sflag:s14] =	ssyncset.done $0x0  }
0x5d: {  	s29 =	sadd.s32 $0x96, s29;
	[sflag:s14] =	ssyncadd.s32 $0xFFFF9C00  }
0x5e: {  	[tilespmem:s20], [sflag:$0x5] =	stream.linear.gather [hbm4b:s29+s2], $0x190, $0x38;
	[tilespmem:$0xD160] =	vst v63  }
0x5f: {  	_ =	swait.ge [sflag:s14], $0x190  }
0x60: {  	[sflag:s14] =	ssyncset.done $0x0  }
0x61: {  	[sflag:s14] =	ssyncadd.s32 $0xFFFFFE70  }
0x62: {  	[tilespmem:s19], [sflag:$0x2] =	stream.indirect.gather.add.f32 [hbm:s3], $0x40, s20, s16, $0xb8;
	[tilespmem:$0xD160] =	vst v63  }
0x63: {  	_ = 	snop  }
0x64: {  	[tilespmem:s22], [sflag:$0x2] =	stream.indirect.gather.add.f32 [hbm:s3], $0x40, s21, s16, $0xb8;
	[tilespmem:$0xD160] =	vst v63  }
0x65: {  	_ =	swait.ge [sflag:s23], $0x3200  }
0x66: {  	[sflag:s23] =	ssyncset.done $0x0  }
0x67: {  	[sflag:s23] =	ssyncadd.s32 $0xFFFFCE00  }
0x68: {  	_ =	swait.ge [sflag:s23], $0x3200  }
0x69: {  	s31 =	smov.u32 s12;
	[sflag:s23] =	ssyncset.done $0x0  }
0x6a: {  	s30 =	sadd.s32 $0x1900, s12;
	s29 =	simm.s32 $0x64;
	[sflag:s23] =	ssyncadd.s32 $0xFFFFCE00  }
.LBB2_2:
0x6b: {  	[hbm4b:s31+s2] =	stream.linear.scatter [tilespmem:s13], [sflag:$0x3], $0x6400, $0x38;
	[tilespmem:$0xD160] =	vst v63  }
0x6c: {  	s0 =	smov.u32 s29;
	s31 =	smov.u32 s30  }
0x6d: {  	p1 =	sne.s32 s29, $0xBB8;
	s29 =	sadd.s32 $0x64, s29;
	_ =	swait.ge [sflag:s24], $0x6400  }
0x6e: {  	[sflag:s24] =	ssyncset.done $0x0  }
0x6f: {  	[sflag:s24] =	ssyncadd.s32 $0xFFFF9C00  }
0x70: {  	[tilespmem:s13], [sflag:$0x5] =	stream.linear.gather [spmem:s1], $0x6400, $0x38;
	[tilespmem:$0xD160] =	vst v63  }
0x71: {  	_ =	swait.ge [sflag:s14], $0x6400  }
0x72: {  	s0 =	sadd.s32 s0, s11;
	[sflag:s14] =	ssyncset.done $0x0  }
0x73: {  	s4 =	sadd.s32 $0x64, s0;
	[sflag:s14] =	ssyncadd.s32 $0xFFFF9C00  }
0x74: {  	[tilespmem:s15], [sflag:$0x5] =	stream.linear.gather [hbm4b:s4+s2], $0x190, $0x38;
	[tilespmem:$0xD160] =	vst v63  }
0x75: {  	_ =	swait.ge [sflag:s14], $0x190  }
0x76: {  	[sflag:s14] =	ssyncset.done $0x0  }
0x77: {  	[sflag:s14] =	ssyncadd.s32 $0xFFFFFE70  }
0x78: {  	[tilespmem:s13], [sflag:$0x1] =	stream.indirect.gather.add.f32 [hbm:s3], $0x40, s15, s16, $0xb8;
	[tilespmem:$0xD160] =	vst v63  }
0x79: {  	_ = 	snop  }
0x7a: {  	[tilespmem:s18], [sflag:$0x1] =	stream.indirect.gather.add.f32 [hbm:s3], $0x40, s17, s16, $0xb8;
	[tilespmem:$0xD160] =	vst v63  }
0x7b: {  	_ =	swait.ge [sflag:s25], $0x3200  }
0x7c: {  	[sflag:s25] =	ssyncset.done $0x0  }
0x7d: {  	[sflag:s25] =	ssyncadd.s32 $0xFFFFCE00  }
0x7e: {  	_ =	swait.ge [sflag:s25], $0x3200  }
0x7f: {  	[sflag:s25] =	ssyncset.done $0x0  }
0x80: {  	s4 =	sadd.s32 $0xFFFFF380, s30;
	[sflag:s25] =	ssyncadd.s32 $0xFFFFCE00  }
0x81: {  	[hbm4b:s4+s2] =	stream.linear.scatter [tilespmem:s19], [sflag:$0x4], $0x6400, $0x38;
	[tilespmem:$0xD160] =	vst v63  }
0x82: {  	_ =	swait.ge [sflag:s26], $0x6400  }
0x83: {  	[sflag:s26] =	ssyncset.done $0x0  }
0x84: {  	[sflag:s26] =	ssyncadd.s32 $0xFFFF9C00  }
0x85: {  	[tilespmem:s19], [sflag:$0x5] =	stream.linear.gather [spmem:s1], $0x6400, $0x38;
	[tilespmem:$0xD160] =	vst v63  }
0x86: {  	_ =	swait.ge [sflag:s14], $0x6400  }
0x87: {  	[sflag:s14] =	ssyncset.done $0x0  }
0x88: {  	s0 =	sadd.s32 $0x96, s0;
	[sflag:s14] =	ssyncadd.s32 $0xFFFF9C00  }
0x89: {  	[tilespmem:s20], [sflag:$0x5] =	stream.linear.gather [hbm4b:s0+s2], $0x190, $0x38;
	[tilespmem:$0xD160] =	vst v63  }
0x8a: {  	_ =	swait.ge [sflag:s14], $0x190  }
0x8b: {  	[sflag:s14] =	ssyncset.done $0x0  }
0x8c: {  	[sflag:s14] =	ssyncadd.s32 $0xFFFFFE70  }
0x8d: {  	[tilespmem:s19], [sflag:$0x2] =	stream.indirect.gather.add.f32 [hbm:s3], $0x40, s20, s16, $0xb8;
	[tilespmem:$0xD160] =	vst v63  }
0x8e: {  	_ = 	snop  }
0x8f: {  	[tilespmem:s22], [sflag:$0x2] =	stream.indirect.gather.add.f32 [hbm:s3], $0x40, s21, s16, $0xb8;
	[tilespmem:$0xD160] =	vst v63  }
0x90: {  	_ =	swait.ge [sflag:s23], $0x3200  }
.Ltmp0:
0x91: {  	[sflag:s23] =	ssyncset.done $0x0;
	(pc) =	sbr.rel @p1 .LBB2_2-.Ltmp0, $4  }
0x92: {  	[sflag:s23] =	ssyncadd.s32 $0xFFFFCE00  }
0x93: {  	_ =	swait.ge [sflag:s23], $0x3200  }
0x94: {  	[sflag:s23] =	ssyncset.done $0x0  }
0x95: {  	s30 =	sadd.s32 $0x1900, s30;
	[sflag:s23] =	ssyncadd.s32 $0xFFFFCE00  }
0x96: {  	[hbm4b:s31+s2] =	stream.linear.scatter [tilespmem:s13], [sflag:$0x3], $0x6400, $0x38;
	[tilespmem:$0xD160] =	vst v63  }
0x97: {  	_ =	swait.ge [sflag:s25], $0x3200  }
0x98: {  	[sflag:s25] =	ssyncset.done $0x0  }
0x99: {  	[sflag:s25] =	ssyncadd.s32 $0xFFFFCE00  }
0x9a: {  	_ =	swait.ge [sflag:s25], $0x3200  }
0x9b: {  	[sflag:s25] =	ssyncset.done $0x0  }
0x9c: {  	s28 =	sadd.s32 $0x1, s28;
	[sflag:s25] =	ssyncadd.s32 $0xFFFFCE00  }
0x9d: {  	[hbm4b:s9+s2] =	stream.linear.scatter [tilespmem:s19], [sflag:$0x4], $0x6400, $0x38;
	[tilespmem:$0xD160] =	vst v63  }
0x9e: {  	p1 =	sne.s32 s28, s10;
	_ =	swait.ge [sflag:s24], $0x6400  }
.Ltmp1:
0x9f: {  	[sflag:s24] =	ssyncset.done $0x0;
	(pc) =	sbr.rel @p1 .LBB2_1-.Ltmp1, $4  }
0xa0: {  	[sflag:s24] =	ssyncadd.s32 $0xFFFF9C00  }
0xa1: {  	_ =	swait.ge [sflag:s26], $0x6400  }
0xa2: {  	[sflag:s26] =	ssyncset.done $0x0  }
0xa3: {  	[sflag:s26] =	ssyncadd.s32 $0xFFFF9C00  }
0xa4: {  	_ =	sfence.sel $0x180000  }
0xa5: {  	[bflag:$0x0] =	sbarrier.arrive $0xFFFF  }
0xa6: {  	_ =	strace $0x90000047  }
0xa7: {  	[bflag:$0x2] =	sbarrier.arrive $0xFFFF  }
0xa8: {  	s0 =	rddreg [dreg:$0x3]  }
0xa9: {  	s0 =	sadd.s32 @!p0 $0x100000, s0  }
0xaa: {  	[sflag:s0] =	ssyncadd.tile.s32 @!p0 $0x1;
	_ =	shalt  }
.Lfunc_end2:
_tile_overlayer_lowered:
.L_overlay_start_2:
0xab: {  	(tag) =	ssettag $0x2  }
0xac: {  	s0 =	rddreg [dreg:$0x0];
	s2 =	stileid.u32  }
0xad: {  	s1 =	rddreg [dreg:$0x1];
	p0 =	sne.s32 s2, $0x0  }
0xae: {  	s3 =	rddreg [dreg:$0x2];
	[bflag:$0x3] =	sbarrier.arrive $0xFFFF;
	s2 =	simm.s32 @!p0 $0x1C05  }
0xaf: {  	[timem:s3], [sflag:s2] =	dma.local @!p0 [hbm:s0], s1  }
0xb0: {  	s0 =	simm.s32 @!p0 $0x5  }
0xb1: {  	_ =	swait.ge @!p0 [sflag:s0], s1  }
0xb2: {  	s1 =	ssub.s32 @!p0 $0x0, s1;
	[sflag:s0] =	ssyncset.done @!p0 $0x0  }
0xb3: {  	[sflag:s0] =	ssyncadd.s32 @!p0 s1  }
0xb4: {  	[bflag:$0x3] =	sbarrier.arrive $0xFFFF  }
0xb5: {  	_ =	shalt  }

// kernel: sparse-core-data-format-call.cloned.1.call-start
scs
called_computation_lowered:
.L_overlay_start_0:
0x0: {  	s2 =	sld [smem:$0x3FD9]  }
0x1: {  	s3 =	sld [smem:$0x3FFE];
	_ =	sdelay $0x1  }
0x2: {  	s1 =	srdreg.scid  }
0x3: {  	s0 =	sand.u32 $0x1, s1  }
0x4: {  	s18 =	sshll.u32 s0, $0xA;
	s2 =	sadd.s32 s3, s2  }
0x5: {  	s2 =	sadd.s32 s2, s18  }
0x6: {  	[smem:$0x3FC5] =	sst s2  }
0x7: {  	_ = 	snop  }
0x8: {  	s2 =	sld [smem:$0x3FD0];
	(tm) =	ssettm $0x1  }
0x9: {  	s19 =	sld [smem:$0x3FFB];
	_ =	sdelay $0x3  }
0xa: {  	_ =	strace s19  }
0xb: {  	s3 =	sld [smem:$0x3FFC];
	_ =	sdelay $0x3  }
0xc: {  	_ =	strace s3  }
0xd: {  	s3 =	sld [smem:$0x3FFD];
	_ =	sdelay $0x3  }
0xe: {  	_ =	strace s3  }
0xf: {  	_ =	strace $0x8FFFFFFF  }
0x10: {  	s20 =	sld [smem:$0x3FDB];
	_ =	sdelay $0x1  }
0x11: {  	s4 =	simm.s32 $_scs_section_size  }
0x12: {  	s5 =	simm.s32 $_size__tile_overlayer_lowered;
	s6 =	simm.s32 $_tile_overlayer_lowered  }
0x13: {  	s23 =	simm.s32 $0x1BFF;
	s22 =	sshll.u32 s6, $0x1;
	s3 =	sadd.s32 s4, s20  }
0x14: {  	s7 =	simm.s32 $0x0;
	s21 =	sshll.u32 s5, $0x1;
	s5 =	sadd.s32 s22, s3  }
0x15: {  	[timem:s7], [sflag:s23] =	dma.local [hbm:s5], s21  }
0x16: {  	_ =	swait.ge [sflag:s23], s21  }
0x17: {  	s4 =	ssub.s32 $0x0, s21;
	[sflag:s23] =	ssyncset.done $0x0  }
0x18: {  	[sflag:s23] =	ssyncadd.s32 s4;
	_ =	sdelay $0x1  }
0x19: {  	s24 =	simm.s32 $0x1B8B  }
0x1a: {  	_ =	swait.ge [sflag:s24], $0x1  }
0x1b: {  	[sflag:s24] =	ssyncset.done $0x0  }
0x1c: {  	s26 =	simm.s32 $0x1B8E;
	s25 =	sld [smem:$0x3FFE];
	[sflag:s24] =	ssyncadd.s32 $0xFFFFFFFF  }
0x1d: {  	s27 =	simm.s32 $execute0_lowered;
	[smem:$0x3FD2] =	sst s26  }
0x1e: {  	s5 =	sshll.u32 s27, $0x1;
	_ =	strace $0x80000049;
	[dreg:$0x1] =	wrdreg $0xFFFFFFFF  }
0x1f: {  	s28 =	simm.s32 $_size_execute0_lowered;
	s3 =	sadd.s32 s3, s5;
	[dreg:$0x0] =	wrdreg $0x0  }
0x20: {  	s5 =	sshll.u32 s28, $0x1;
	[dreg:$0x2] =	wrdreg s3  }
0x21: {  	[dreg:$0x3] =	wrdreg s5  }
0x22: {  	[dreg:$0x4] =	wrdreg $0xC0  }
0x23: {  	_ =	task [dreg:s7], $0x5FFFF  }
0x24: {  	[dreg:$0x1] =	wrdreg $0xFFFFFFFF  }
0x25: {  	[dreg:$0x0] =	wrdreg $0x60  }
0x26: {  	[dreg:$0x2] =	wrdreg s25  }
0x27: {  	[dreg:$0x3] =	wrdreg s2  }
0x28: {  	[dreg:$0x4] =	wrdreg $0x9  }
0x29: {  	_ =	task.clear_ibuf [dreg:s7], $0x5FFFF;
	_ =	strace $0x90000049  }
0x2a: {  	s29 =	simm.s32 $0x9;
	_ =	strace $0x8000004B  }
0x2b: {  	_ =	swait.ge [sflag:s29], $0x1  }
0x2c: {  	[sflag:s29] =	ssyncadd.s32 $0xFFFFFFFF  }
0x2d: {  	_ =	strace $0x9000004B  }
0x2e: {  	_ =	sfence  }
0x2f: {  	s30 =	sld [smem:$0x0];
	_ =	sdelay $0x2  }
0x30: {  	s31 =	sshll.u32 s1, $0xD;
	s1 =	sshrl.u32 s1, $0x2  }
0x31: {  	s3 =	sand.u32 $0x4000, s31;
	s1 =	sadd.s32 s1, s30  }
0x32: {  	s0 =	sor.u32 s3, s0;
	s1 =	sshll.u32 s1, $0x11  }
0x33: {  	s0 =	sor.u32 s1, s0  }
0x34: {  	s0 =	sadd.s32 $0x8F2B, s0  }
0x35: {  	[sflag:s0] =	ssyncadd.remote.s32 $0x1  }
0x36: {  	_ =	sfence.sel $0xFFFF  }
0x37: {  	[dreg:$0x0] =	wrdreg $0xFFFFFFFF;
	(pc) =	sbr.abs _section_cstart, $3  }
0x38: {  	[dreg:$0x1] =	wrdreg $0xFFFFFFFF  }
0x39: {  	_ =	task.clear_ibuf [dreg:s7], $0x2FFFF;
	_ =	strace $0x9FFFFFFF  }
0x3a: {  	(tm) =	ssettm $0x7FFFFFFF  }
0x3b: {  	_ =	shalt  }
tec
execute0_lowered:
.L_overlay_start_1:
0x0: {  	(tag) =	ssettag $0x1  }
0x1: {  	s0 =	srdreg.scid  }
0x2: {  	s1 =	sshll.u32 s0, $0x4  }
0x3: {  	s0 =	stileid.u32;
	s1 =	sand.u32 $0x10, s1  }
0x4: {  	s1 =	sor.u32 s0, s1  }
0x5: {  	s6 =	rddreg [dreg:$0x0];
	s4 =	simm.s32 $0x1;
	s2 =	sshll.u32 s1, $0x7  }
0x6: {  	s7 =	simm.s32 $0x2;
	s12 =	simm.s32 $0x0;
	s1 =	ssub.s32 $0x1000, s2  }
0x7: {  	s8 =	simm.s32 $0x8000;
	s13 =	simm.s32 $0x0;
	s3 =	sand.u32 $0xF80, s1  }
0x8: {  	s9 =	simm.s32 $0x0;
	s5 =	sshrl.u32 s1, $0xC;
	p0 =	sne.s32 s3, $0x0  }
.Ltmp0:
0x9: {  	s1 =	rddreg [dreg:$0x2];
	s4 =	simm.s32 @!p0 $0x0;
	(pc) =	sbr.rel .LBB1_1-.Ltmp0, $4  }
0xa: {  	s11 =	simm.s32 $0x0;
	s3 =	rddreg [dreg:$0x1];
	s5 =	sadd.s32 s4, s5  }
0xb: {  	_ =	strace $0x8000004A;
	s4 =	simm.s32 $0x1;
	s5 =	smul.u32 $0xC8, s5  }
0xc: {  	s6 =	sadd.s32 $0x800, s6;
	s10 =	smov.u32 s2;
	[sflag:s4] =	ssyncpa.u1 $0x0  }
0xd: {  	p0 =	por $0x0, $0x0;
	[sflag:s7] =	ssyncpa.u1 $0x0;
	s7 =	sor.u32 $0x1, s5  }
.LBB1_4:
0xe: {  	s16 =	sshll.u32 s13, $0x3;
	s17 =	sand.u32 $0x78, s13  }
0xf: {  	s30 =	sand.u32 $0x7E00, s13;
	s12 =	sshll.u32 s12, $0xF;
	s16 =	sand.u32 $0xC00, s16  }
0x10: {  	[tilespmem:s15+$0x810 ss:$0x81] =	vst.msk $0xffff, v2;
	s31 =	sand.u32 $0x7, s13;
	s16 =	sor.u32 s17, s16;
	s17 =	sadd.s32 s3, s30  }
0x11: {  	[tilespmem:s15+$0x1020 ss:$0x81] =	vst.msk $0xffff, v0;
	s13 =	sshll.u32 s31, $0x12;
	s12 =	sadd.s32 s12, s17;
	s16 =	sshrl.u32 s16, $0x3  }
0x12: {  	[tilespmem:s15+$0x0 ss:$0x81] =	vst.msk $0xffff, v1;
	s13 =	sor.u32 $0x400, s13;
	s12 =	sadd.s32 s16, s12  }
0x13: {  	[hbm4b:s12+s13] =	stream.strided.scatter [tilespmem:s14], [sflag:$0x2], $0x2000, s8, s13, $0x20;
	[tilespmem:$0x8080] =	vst v63  }
.LBB1_5:
0x14: {  	s14 =	sadd.s32 $0x1, s9  }
0x15: {  	s12 =	sadd.s32 $0x1000, s10;
	s16 =	smov.u32 s10;
	p2 =	sgt.s32 s14, $0xC7  }
0x16: {  	s16 =	smov.u32 @p2 s12  }
0x17: {  	s14 =	simm.s32 @p2 $0x0;
	p2 =	sgt.s32 s16, $0xFFF  }
0x18: {  	s16 =	smov.u32 @p2 s2;
	p2 =	sne.s32 s11, s7  }
.Ltmp1:
0x19: {  	p1 =	slt.u32 s11, $0x2;
	(pc) =	sbr.rel @!p2 .LBB1_6-.Ltmp1, $4  }
0x1a: {  	s15 =	simm.s32 @!p1 $0x2  }
0x1b: {  	s13 =	smov.u32 s10;
	p0 =	por !p0, !p0;
	_ =	swait.ge @!p1 [sflag:s15], $0x2000  }
0x1c: {  	s12 =	smov.u32 s9;
	[sflag:s15] =	ssyncset.done @!p1 $0x0;
	s9 =	smov.u32 s14  }
0x1d: {  	s11 =	sadd.s32 $0x1, s11;
	[sflag:s15] =	ssyncadd.s32 @!p1 $0xFFFFE000;
	s10 =	smov.u32 s16  }
.LBB1_1:
0x1e: {  	p1 =	sge.u32 s11, s5  }
0x1f: {  	s14 =	sand.u32 @!p1 $0x1FFFFFF, s9  }
0x20: {  	s15 =	smulhi.u32 @!p1 $0x147AE15, s14;
	_ =	sdelay $0x1  }
0x21: {  	s15 =	smul.u32 @!p1 $0xC8, s15  }
0x22: {  	s16 =	sxor.u32 @!p1 $0xFFFFFFFF, s11;
	s17 =	smul.u32 @!p1 $0xC80, s10  }
0x23: {  	s31 =	sadd.s32 $0xFFFFFFFF, s11;
	s16 =	sshll.u32 @!p1 s16, $0xD;
	s14 =	ssub.s32 @!p1 s14, s15  }
0x24: {  	s15 =	sand.u32 @!p1 $0x2000, s16;
	s16 =	sadd.s32 @!p1 s6, s17;
	s14 =	sshll.u32 @!p1 s14, $0x4  }
0x25: {  	s17 =	simm.s32 @!p1 $0x6400;
	s14 =	sadd.s32 @!p1 s14, s16;
	s16 =	simm.s32 @!p1 $0x40  }
0x26: {  	[tilespmem:s15], [sflag:$0x1] =	stream.strided.gather @!p1 [hbm4b:s14+s16], $0x2000, s17, s16, $0x38;
	[tilespmem:$0x8080] =	vst v63  }
0x27: {  	p1 =	sge.u32 s31, s5  }
.Ltmp2:
0x28: {  	_ = 	snop;
	(pc) =	sbr.rel @p1 .LBB1_5-.Ltmp2, $1  }
0x29: {  	_ =	sdelay $0x3  }
0x2a: {  	s14 =	simm.s32 $0x1  }
0x2b: {  	_ =	swait.ge [sflag:s4], $0x2000;
	s14 =	simm.s32 @!p0 $0x0  }
0x2c: {  	[sflag:s4] =	ssyncset.done $0x0;
	s15 =	sshll.u32 s14, $0xD  }
0x2d: {  	[sflag:s4] =	ssyncadd.s32 $0xFFFFE000;
	s18 =	sor.u32 $0x20, s15  }
0x2e: {  	s14 =	smul.u32 $0x8100, s14;
	v3 =	vld [tilespmem:s18+$0x10]  }
0x2f: {  	s30 =	sand.u32 $0x1, s11;
	v2 =	vld [tilespmem:s18+$0xFFFFFFF0]  }
0x30: {  	s15 =	smul.u32 $0x8100, s30;
	s14 =	sshrl.u32 s14, $0x2;
	v0 =	vld [tilespmem:s18+$0x0]  }
0x31: {  	v1 =	vld [tilespmem:s18+$0xFFFFFFE0];
	s16 =	sor.u32 $0x4000, s14  }
0x32: {  	s31 =	sshrl.u32 s15, $0x2;
	s15 =	sadd.s32 $0x0, s16  }
0x33: {  	s17 =	simm.s32 $0x4;
	s18 =	sadd.s32 $0x40, s18;
	s14 =	sor.u32 $0x4000, s31;
	[tilespmem:s15+$0x1830 ss:$0x81] =	vst.msk $0xffff, v3  }
.LBB1_3:
0x34: {  	v3 =	vld [tilespmem:s18+$0x10];
	p1 =	sne.s32 s17, $0x1FC;
	[tilespmem:s15+$0x810 ss:$0x81] =	vst.msk $0xffff, v2;
	s19 =	smov.u32 s17;
	s17 =	sadd.s32 $0x4, s17  }
.Ltmp3:
0x35: {  	v2 =	vld [tilespmem:s18+$0xFFFFFFF0];
	[tilespmem:s15+$0x1020 ss:$0x81] =	vst.msk $0xffff, v0;
	(pc) =	sbr.rel @p1 .LBB1_3-.Ltmp3, $4  }
0x36: {  	v0 =	vld [tilespmem:s18+$0x0];
	[tilespmem:s15+$0x0 ss:$0x81] =	vst.msk $0xffff, v1  }
0x37: {  	s15 =	sshra.s32 s19, $0x2;
	v1 =	vld [tilespmem:s18+$0xFFFFFFE0]  }
0x38: {  	s15 =	sadd.s32 s15, s16  }
0x39: {  	s18 =	sadd.s32 $0x40, s18;
	[tilespmem:s15+$0x1830 ss:$0x81] =	vst.msk $0xffff, v3  }
.Ltmp4:
0x3a: {  	_ = 	snop;
	(pc) =	sbr.rel .LBB1_4-.Ltmp4, $1  }
0x3b: {  	_ =	sdelay $0x3  }
.LBB1_6:
0x3c: {  	_ =	sfence.sel $0x180000  }
0x3d: {  	s2 =	simm.s32 $0x1;
	[bflag:$0x0] =	sbarrier.arrive $0xFFFF  }
0x3e: {  	s31 =	simm.s32 $0x2;
	[sflag:s2] =	ssyncpa.u1 $0x1  }
0x3f: {  	[sflag:s31] =	ssyncpa.u1 $0x1  }
0x40: {  	p0 =	sne.s32 s0, $0x0;
	_ =	strace $0x9000004A  }
0x41: {  	s0 =	sadd.s32 @!p0 $0x100000, s1;
	[bflag:$0x2] =	sbarrier.arrive $0xFFFF  }
0x42: {  	[sflag:s0] =	ssyncadd.tile.s32 @!p0 $0x1;
	_ =	shalt  }
.Lfunc_end1:
_tile_overlayer_lowered:
.L_overlay_start_2:
0x43: {  	(tag) =	ssettag $0x2  }
0x44: {  	s0 =	rddreg [dreg:$0x0];
	s2 =	stileid.u32  }
0x45: {  	s1 =	rddreg [dreg:$0x1];
	p0 =	sne.s32 s2, $0x0  }
0x46: {  	s3 =	rddreg [dreg:$0x2];
	[bflag:$0x3] =	sbarrier.arrive $0xFFFF;
	s2 =	simm.s32 @!p0 $0x1C01  }
0x47: {  	[timem:s3], [sflag:s2] =	dma.local @!p0 [hbm:s0], s1  }
0x48: {  	s0 =	simm.s32 @!p0 $0x1  }
0x49: {  	_ =	swait.ge @!p0 [sflag:s0], s1  }
0x4a: {  	s1 =	ssub.s32 @!p0 $0x0, s1;
	[sflag:s0] =	ssyncset.done @!p0 $0x0  }
0x4b: {  	[sflag:s0] =	ssyncadd.s32 @!p0 s1  }
0x4c: {  	[bflag:$0x3] =	sbarrier.arrive $0xFFFF  }
0x4d: {  	_ =	shalt  }

</sc_bundles>
